<compile_context>
chip_gen: v7x
topology: tpu7x:2x2x1
jax: 0.10.2.dev20260603
libtpu: 0.0.44.dev20260713+nightly
codegen_flags: <defaults>
</compile_context>

<pallas_src>
import functools

import jax
import jax.numpy as jnp
from jax import lax
from jax.experimental import pallas as pl
from jax.experimental.pallas import tpu as pltpu
from jax.experimental.pallas import tpu_sc as plsc

ROWS = 16384
COLS = 512
K = 128
NUM_CORES = 2
NUM_SUBCORES = 16
NW = NUM_CORES * NUM_SUBCORES
RPW = ROWS // NW
CHUNK = 64
NCHUNK = RPW // CHUNK
DEPTH = 2
LANES = 16
NGRP = K // LANES


def _sc_feature_select(values, indices):
    mesh = plsc.VectorSubcoreMesh(
        core_axis_name="c", subcore_axis_name="s", num_cores=NUM_CORES
    )

    @functools.partial(
        pl.kernel,
        out_type=jax.ShapeDtypeStruct((ROWS, K), jnp.float32),
        mesh=mesh,
        compiler_params=pltpu.CompilerParams(
            use_tc_tiling_on_sc=True, needs_layout_passes=False
        ),
        scratch_types=[
            pltpu.VMEM((K,), jnp.int32),
            pltpu.VMEM((DEPTH, CHUNK, COLS), jnp.float32),
            pltpu.VMEM((DEPTH, CHUNK, K), jnp.float32),
        ]
        + [pltpu.SemaphoreType.DMA] * (2 * DEPTH),
    )
    def body(values_hbm, idx_hbm, out_hbm, idx_v, in_v, out_v, *sems):
        sems_in = sems[:DEPTH]
        sems_out = sems[DEPTH:]
        wid = lax.axis_index("s") * NUM_CORES + lax.axis_index("c")
        row0 = wid * RPW

        pltpu.sync_copy(idx_hbm, idx_v)
        idx_regs = [idx_v[pl.ds(g * LANES, LANES)] for g in range(NGRP)]

        def start_in(ck, sl):
            pltpu.async_copy(
                values_hbm.at[pl.ds(row0 + ck * CHUNK, CHUNK), :],
                in_v.at[sl], sems_in[sl])

        def start_out(ck, sl):
            pltpu.async_copy(
                out_v.at[sl],
                out_hbm.at[pl.ds(row0 + ck * CHUNK, CHUNK), :],
                sems_out[sl])

        def wait_in(sl):
            pltpu.make_async_copy(
                values_hbm.at[pl.ds(row0, CHUNK), :], in_v.at[sl],
                sems_in[sl]).wait()

        def wait_out(sl):
            pltpu.make_async_copy(
                out_v.at[sl], out_hbm.at[pl.ds(row0, CHUNK), :],
                sems_out[sl]).wait()

        start_in(0, 0)
        start_in(1, 1)

        def pair_body(p, carry):
            for sl in range(2):
                ck = 2 * p + sl
                wait_in(sl)

                @pl.when(p > 0)
                def _():
                    wait_out(sl)

                in_blk = in_v.at[sl]
                out_blk = out_v.at[sl]

                @plsc.parallel_loop(0, CHUNK, step=1, unroll=4)
                def row_body(r):
                    rvec = jnp.full((LANES,), r, jnp.int32)
                    for g in range(NGRP):
                        v = plsc.load_gather(in_blk, [rvec, idx_regs[g]])
                        out_blk[r, pl.ds(g * LANES, LANES)] = v

                start_out(ck, sl)

                @pl.when(p < NCHUNK // 2 - 1)
                def _():
                    start_in(ck + 2, sl)
            return carry

        lax.fori_loop(0, NCHUNK // 2, pair_body, 0)
        wait_out(0)
        wait_out(1)

    return body(values, indices)


def kernel(values, indices):
    return _sc_feature_select(values, indices)

# --- scband reference (transcript-rebuilt; emitter-appended) ---
"""Pipeline reference for scband-feature-selector-20658792693805 (READ-ONLY COPY).

The authoritative reference and input builder live on the scoring server;
editing this copy changes nothing except your own understanding.
"""

import jax, jax.numpy as jnp
import numpy as np


def setup_inputs(seed: int = 0) -> dict:
    key = jax.random.key(seed)
    values = jax.random.normal(key, (16384, 512), dtype=jnp.float32)
    # buffer 'indices' from init_kwargs: every 4th feature -> 128 indices
    indices = jnp.asarray(np.arange(0, 512, 4), dtype=jnp.int32)
    return {"values": values, "indices": indices}


def reference(values, indices):
    # FeatureSelector.forward: values.index_select(dim=-1, index=indices)
    return jnp.take(values, indices, axis=-1)

if __name__ == "__main__":
    import jax
    _d = setup_inputs()
    print(jax.jit(kernel)(*tuple(_d.values())))

</pallas_src>

<mosaic_0001>
#map = affine_map<(d0, d1) -> (0, 0)>
#map1 = affine_map<(d0, d1) -> (0)>
module attributes {stable_mosaic.version = 14 : i64} {
  func.func @body(%arg0: i32, %arg1: i32, %arg2: memref<16384x512xf32, #tpu.memory_space<hbm>>, %arg3: memref<128xi32, #tpu.memory_space<hbm>>, %arg4: memref<16384x128xf32, #tpu.memory_space<hbm>>, %arg5: memref<128xi32, #tpu.memory_space<vmem>>, %arg6: memref<2x64x512xf32, #tpu.memory_space<vmem>>, %arg7: memref<2x64x128xf32, #tpu.memory_space<vmem>>, %arg8: memref<!tpu.dma_semaphore, #tpu.memory_space<semaphore_mem>>, %arg9: memref<!tpu.dma_semaphore, #tpu.memory_space<semaphore_mem>>, %arg10: memref<!tpu.dma_semaphore, #tpu.memory_space<semaphore_mem>>, %arg11: memref<!tpu.dma_semaphore, #tpu.memory_space<semaphore_mem>>) attributes {dimension_semantics = [#tpu.dimension_semantics<core_parallel>, #tpu.dimension_semantics<subcore_parallel>], iteration_bounds = array<i64: 2, 16>, scalar_prefetch = 0 : i64, scratch_operands = 7 : i64, tpu.core_type = #tpu.core_type<sc_vector_subcore>, window_params = [{transform_indices = #map}, {transform_indices = #map1}, {transform_indices = #map}]} {
    %mul3A = arith.constant 2 : i32
    %mul3A_0 = arith.muli %arg1, %mul3A : i32
    %add3A = arith.addi %mul3A_0, %arg0 : i32
    %mul3A_1 = arith.constant 512 : i32
    %mul3A_2 = arith.muli %add3A, %mul3A_1 : i32
    "tpu.region"() ({
      %run_scoped3A = tpu.sem_alloc : memref<!tpu.dma_semaphore, #tpu.memory_space<semaphore_mem>>
      tpu.enqueue_dma source(%arg3 : memref<128xi32, #tpu.memory_space<hbm>>) target(%arg5 : memref<128xi32, #tpu.memory_space<vmem>>) target_semaphore(%run_scoped3A : memref<!tpu.dma_semaphore, #tpu.memory_space<semaphore_mem>>)
      tpu.wait_dma2 semaphore(%run_scoped3A : memref<!tpu.dma_semaphore, #tpu.memory_space<semaphore_mem>>) src(%arg3 : memref<128xi32, #tpu.memory_space<hbm>>) dst(%arg5 : memref<128xi32, #tpu.memory_space<vmem>>)
      tpu.yield
    }) : () -> ()
    %get3A = arith.constant 0 : index
    %get3A_3 = tpu.vector_load %arg5[%get3A] {strides = array<i32>} : memref<128xi32, #tpu.memory_space<vmem>>, vector<16xi32>,
    %get3A_4 = arith.constant 16 : index
    %get3A_5 = tpu.vector_load %arg5[%get3A_4] {strides = array<i32>} : memref<128xi32, #tpu.memory_space<vmem>>, vector<16xi32>,
    %get3A_6 = arith.constant 32 : index
    %get3A_7 = tpu.vector_load %arg5[%get3A_6] {strides = array<i32>} : memref<128xi32, #tpu.memory_space<vmem>>, vector<16xi32>,
    %get3A_8 = arith.constant 48 : index
    %get3A_9 = tpu.vector_load %arg5[%get3A_8] {strides = array<i32>} : memref<128xi32, #tpu.memory_space<vmem>>, vector<16xi32>,
    %get3A_10 = arith.constant 64 : index
    %get3A_11 = tpu.vector_load %arg5[%get3A_10] {strides = array<i32>} : memref<128xi32, #tpu.memory_space<vmem>>, vector<16xi32>,
    %get3A_12 = arith.constant 80 : index
    %get3A_13 = tpu.vector_load %arg5[%get3A_12] {strides = array<i32>} : memref<128xi32, #tpu.memory_space<vmem>>, vector<16xi32>,
    %get3A_14 = arith.constant 96 : index
    %get3A_15 = tpu.vector_load %arg5[%get3A_14] {strides = array<i32>} : memref<128xi32, #tpu.memory_space<vmem>>, vector<16xi32>,
    %get3A_16 = arith.constant 112 : index
    %get3A_17 = tpu.vector_load %arg5[%get3A_16] {strides = array<i32>} : memref<128xi32, #tpu.memory_space<vmem>>, vector<16xi32>,
    %add3A_18 = arith.constant 0 : i32
    %add3A_19 = arith.addi %mul3A_2, %add3A_18 : i32
    %dma_start3A = arith.constant 0 : i32
    %dma_start3A_20 = arith.constant 0 : i32
    %dma_start3A_21 = arith.constant 0 : i32
    %dma_start3A_22 = tpu.memref_slice %arg6[%dma_start3A, %dma_start3A_20, %dma_start3A_21] : memref<2x64x512xf32, #tpu.memory_space<vmem>> -> memref<1x64x512xf32, #tpu.memory_space<vmem>>
    %dma_start3A_23 = tpu.memref_squeeze %dma_start3A_22 : memref<1x64x512xf32, #tpu.memory_space<vmem>> -> memref<64x512xf32, #tpu.memory_space<vmem>>
    %dma_start3A_24 = arith.constant 0 : i32
    %dma_start3A_25 = tpu.memref_slice %arg2[%add3A_19, %dma_start3A_24] : memref<16384x512xf32, #tpu.memory_space<hbm>> -> memref<64x512xf32, #tpu.memory_space<hbm>>
    %dma_start3A_26 = arith.constant 0 : i32
    %dma_start3A_27 = arith.constant 0 : i32
    %dma_start3A_28 = tpu.memref_slice %arg6[%dma_start3A, %dma_start3A_26, %dma_start3A_27] : memref<2x64x512xf32, #tpu.memory_space<vmem>> -> memref<1x64x512xf32, #tpu.memory_space<vmem>>
    %dma_start3A_29 = tpu.memref_squeeze %dma_start3A_28 : memref<1x64x512xf32, #tpu.memory_space<vmem>> -> memref<64x512xf32, #tpu.memory_space<vmem>>
    %dma_start3A_30 = arith.constant 0 : i32
    %dma_start3A_31 = tpu.memref_slice %arg2[%add3A_19, %dma_start3A_30] : memref<16384x512xf32, #tpu.memory_space<hbm>> -> memref<64x512xf32, #tpu.memory_space<hbm>>
    tpu.enqueue_dma source(%dma_start3A_31 : memref<64x512xf32, #tpu.memory_space<hbm>>) target(%dma_start3A_29 : memref<64x512xf32, #tpu.memory_space<vmem>>) target_semaphore(%arg8 : memref<!tpu.dma_semaphore, #tpu.memory_space<semaphore_mem>>)
    %add3A_32 = arith.constant 64 : i32
    %add3A_33 = arith.addi %mul3A_2, %add3A_32 : i32
    %dma_start3A_34 = arith.constant 1 : i32
    %dma_start3A_35 = arith.constant 0 : i32
    %dma_start3A_36 = arith.constant 0 : i32
    %dma_start3A_37 = tpu.memref_slice %arg6[%dma_start3A_34, %dma_start3A_35, %dma_start3A_36] : memref<2x64x512xf32, #tpu.memory_space<vmem>> -> memref<1x64x512xf32, #tpu.memory_space<vmem>>
    %dma_start3A_38 = tpu.memref_squeeze %dma_start3A_37 : memref<1x64x512xf32, #tpu.memory_space<vmem>> -> memref<64x512xf32, #tpu.memory_space<vmem>>
    %dma_start3A_39 = arith.constant 0 : i32
    %dma_start3A_40 = tpu.memref_slice %arg2[%add3A_33, %dma_start3A_39] : memref<16384x512xf32, #tpu.memory_space<hbm>> -> memref<64x512xf32, #tpu.memory_space<hbm>>
    %dma_start3A_41 = arith.constant 0 : i32
    %dma_start3A_42 = arith.constant 0 : i32
    %dma_start3A_43 = tpu.memref_slice %arg6[%dma_start3A_34, %dma_start3A_41, %dma_start3A_42] : memref<2x64x512xf32, #tpu.memory_space<vmem>> -> memref<1x64x512xf32, #tpu.memory_space<vmem>>
    %dma_start3A_44 = tpu.memref_squeeze %dma_start3A_43 : memref<1x64x512xf32, #tpu.memory_space<vmem>> -> memref<64x512xf32, #tpu.memory_space<vmem>>
    %dma_start3A_45 = arith.constant 0 : i32
    %dma_start3A_46 = tpu.memref_slice %arg2[%add3A_33, %dma_start3A_45] : memref<16384x512xf32, #tpu.memory_space<hbm>> -> memref<64x512xf32, #tpu.memory_space<hbm>>
    tpu.enqueue_dma source(%dma_start3A_46 : memref<64x512xf32, #tpu.memory_space<hbm>>) target(%dma_start3A_44 : memref<64x512xf32, #tpu.memory_space<vmem>>) target_semaphore(%arg9 : memref<!tpu.dma_semaphore, #tpu.memory_space<semaphore_mem>>)
    %scan3A = arith.constant 0 : i32
    %scan3A_47 = arith.constant 0 : i32
    %scan3A_48 = arith.constant 4 : i32
    %scan3A_49 = arith.addi %scan3A_47, %scan3A_48 : i32
    %scan3A_50 = arith.constant 1 : i32
    scf.for %scan3A_77 = %scan3A_47 to %scan3A_49 step %scan3A_50  : i32 {
      %mul3A_78 = arith.constant 2 : i32
      %mul3A_79 = arith.muli %mul3A_78, %scan3A_77 : i32
      %add3A_80 = arith.constant 0 : i32
      %add3A_81 = arith.addi %mul3A_79, %add3A_80 : i32
      %dma_wait3A_82 = arith.constant 0 : i32
      %dma_wait3A_83 = arith.constant 0 : i32
      %dma_wait3A_84 = arith.constant 0 : i32
      %dma_wait3A_85 = tpu.memref_slice %arg6[%dma_wait3A_82, %dma_wait3A_83, %dma_wait3A_84] : memref<2x64x512xf32, #tpu.memory_space<vmem>> -> memref<1x64x512xf32, #tpu.memory_space<vmem>>
      %dma_wait3A_86 = tpu.memref_squeeze %dma_wait3A_85 : memref<1x64x512xf32, #tpu.memory_space<vmem>> -> memref<64x512xf32, #tpu.memory_space<vmem>>
      %dma_wait3A_87 = arith.constant 0 : i32
      %dma_wait3A_88 = tpu.memref_slice %arg2[%mul3A_2, %dma_wait3A_87] : memref<16384x512xf32, #tpu.memory_space<hbm>> -> memref<64x512xf32, #tpu.memory_space<hbm>>
      %dma_wait3A_89 = arith.constant 0 : i32
      %dma_wait3A_90 = arith.constant 0 : i32
      %dma_wait3A_91 = tpu.memref_slice %arg6[%dma_wait3A_82, %dma_wait3A_89, %dma_wait3A_90] : memref<2x64x512xf32, #tpu.memory_space<vmem>> -> memref<1x64x512xf32, #tpu.memory_space<vmem>>
      %dma_wait3A_92 = tpu.memref_squeeze %dma_wait3A_91 : memref<1x64x512xf32, #tpu.memory_space<vmem>> -> memref<64x512xf32, #tpu.memory_space<vmem>>
      %dma_wait3A_93 = arith.constant 0 : i32
      %dma_wait3A_94 = tpu.memref_slice %arg2[%mul3A_2, %dma_wait3A_93] : memref<16384x512xf32, #tpu.memory_space<hbm>> -> memref<64x512xf32, #tpu.memory_space<hbm>>
      tpu.wait_dma2 semaphore(%arg8 : memref<!tpu.dma_semaphore, #tpu.memory_space<semaphore_mem>>) src(%dma_wait3A_94 : memref<64x512xf32, #tpu.memory_space<hbm>>) dst(%dma_wait3A_92 : memref<64x512xf32, #tpu.memory_space<vmem>>)
      %gt3A = arith.constant 0 : i32
      %gt3A_95 = arith.cmpi sgt, %scan3A_77, %gt3A : i32
      %convert_element_type3A = arith.extui %gt3A_95 : i1 to i32
      %cond3A = arith.constant 0 : i32
      %cond3A_96 = arith.cmpi ne, %convert_element_type3A, %cond3A : i32
      scf.if %cond3A_96 {
        %dma_wait3A_169 = arith.constant 0 : i32
        %dma_wait3A_170 = arith.constant 0 : i32
        %dma_wait3A_171 = arith.constant 0 : i32
        %dma_wait3A_172 = tpu.memref_slice %arg7[%dma_wait3A_169, %dma_wait3A_170, %dma_wait3A_171] : memref<2x64x128xf32, #tpu.memory_space<vmem>> -> memref<1x64x128xf32, #tpu.memory_space<vmem>>
        %dma_wait3A_173 = tpu.memref_squeeze %dma_wait3A_172 : memref<1x64x128xf32, #tpu.memory_space<vmem>> -> memref<64x128xf32, #tpu.memory_space<vmem>>
        %dma_wait3A_174 = arith.constant 0 : i32
        %dma_wait3A_175 = tpu.memref_slice %arg4[%mul3A_2, %dma_wait3A_174] : memref<16384x128xf32, #tpu.memory_space<hbm>> -> memref<64x128xf32, #tpu.memory_space<hbm>>
        %dma_wait3A_176 = arith.constant 0 : i32
        %dma_wait3A_177 = tpu.memref_slice %arg4[%mul3A_2, %dma_wait3A_176] : memref<16384x128xf32, #tpu.memory_space<hbm>> -> memref<64x128xf32, #tpu.memory_space<hbm>>
        %dma_wait3A_178 = arith.constant 0 : i32
        %dma_wait3A_179 = arith.constant 0 : i32
        %dma_wait3A_180 = tpu.memref_slice %arg7[%dma_wait3A_169, %dma_wait3A_178, %dma_wait3A_179] : memref<2x64x128xf32, #tpu.memory_space<vmem>> -> memref<1x64x128xf32, #tpu.memory_space<vmem>>
        %dma_wait3A_181 = tpu.memref_squeeze %dma_wait3A_180 : memref<1x64x128xf32, #tpu.memory_space<vmem>> -> memref<64x128xf32, #tpu.memory_space<vmem>>
        tpu.wait_dma2 semaphore(%arg10 : memref<!tpu.dma_semaphore, #tpu.memory_space<semaphore_mem>>) src(%dma_wait3A_181 : memref<64x128xf32, #tpu.memory_space<vmem>>) dst(%dma_wait3A_177 : memref<64x128xf32, #tpu.memory_space<hbm>>)
      } else {
      }
      %parallel_loop3A = arith.constant 0 : i32
      %parallel_loop3A_97 = arith.constant 64 : i32
      %parallel_loop3A_98 = arith.constant 1 : i32
      %parallel_loop3A_99 = arith.constant 0 : i32
      %parallel_loop3A_100 = arith.constant 0 : i32
      scf.for %parallel_loop3A_169 = %parallel_loop3A to %parallel_loop3A_97 step %parallel_loop3A_98  : i32 {
        %parallel_loop3A_170 = vector.broadcast %parallel_loop3A_169 : i32 to vector<16xi32>
        %parallel_loop3A_171 = arith.constant 0 : i32
        %parallel_loop3A_172 = arith.constant 0 : i32
        %parallel_loop3A_173 = tpu.memref_slice %arg6[%parallel_loop3A_99, %parallel_loop3A_171, %parallel_loop3A_172] : memref<2x64x512xf32, #tpu.memory_space<vmem>> -> memref<1x64x512xf32, #tpu.memory_space<vmem>>
        %parallel_loop3A_174 = tpu.memref_squeeze %parallel_loop3A_173 : memref<1x64x512xf32, #tpu.memory_space<vmem>> -> memref<64x512xf32, #tpu.memory_space<vmem>>
        %parallel_loop3A_175 = tpu.vector_load_idx %parallel_loop3A_174[%parallel_loop3A_170, %get3A_3] : memref<64x512xf32, #tpu.memory_space<vmem>>[vector<16xi32>, vector<16xi32>], vector<16xf32>,
        %parallel_loop3A_176 = arith.constant 0 : i32
        %parallel_loop3A_177 = arith.constant 0 : i32
        %parallel_loop3A_178 = tpu.memref_slice %arg7[%parallel_loop3A_100, %parallel_loop3A_176, %parallel_loop3A_177] : memref<2x64x128xf32, #tpu.memory_space<vmem>> -> memref<1x64x128xf32, #tpu.memory_space<vmem>>
        %parallel_loop3A_179 = tpu.memref_squeeze %parallel_loop3A_178 : memref<1x64x128xf32, #tpu.memory_space<vmem>> -> memref<64x128xf32, #tpu.memory_space<vmem>>
        %parallel_loop3A_180 = arith.index_cast %parallel_loop3A_169 : i32 to index
        %parallel_loop3A_181 = arith.constant 0 : index
        %parallel_loop3A_182 = tpu.vector_load %parallel_loop3A_179[%parallel_loop3A_180, %parallel_loop3A_181] {strides = array<i32>} : memref<64x128xf32, #tpu.memory_space<vmem>>, vector<16xf32>,
        tpu.vector_store %parallel_loop3A_179[%parallel_loop3A_180, %parallel_loop3A_181], %parallel_loop3A_175 {strides = array<i32>} : memref<64x128xf32, #tpu.memory_space<vmem>>, vector<16xf32>,
        %parallel_loop3A_183 = arith.constant 0 : i32
        %parallel_loop3A_184 = arith.constant 0 : i32
        %parallel_loop3A_185 = tpu.memref_slice %arg6[%parallel_loop3A_99, %parallel_loop3A_183, %parallel_loop3A_184] : memref<2x64x512xf32, #tpu.memory_space<vmem>> -> memref<1x64x512xf32, #tpu.memory_space<vmem>>
        %parallel_loop3A_186 = tpu.memref_squeeze %parallel_loop3A_185 : memref<1x64x512xf32, #tpu.memory_space<vmem>> -> memref<64x512xf32, #tpu.memory_space<vmem>>
        %parallel_loop3A_187 = tpu.vector_load_idx %parallel_loop3A_186[%parallel_loop3A_170, %get3A_5] : memref<64x512xf32, #tpu.memory_space<vmem>>[vector<16xi32>, vector<16xi32>], vector<16xf32>,
        %parallel_loop3A_188 = arith.constant 0 : i32
        %parallel_loop3A_189 = arith.constant 0 : i32
        %parallel_loop3A_190 = tpu.memref_slice %arg7[%parallel_loop3A_100, %parallel_loop3A_188, %parallel_loop3A_189] : memref<2x64x128xf32, #tpu.memory_space<vmem>> -> memref<1x64x128xf32, #tpu.memory_space<vmem>>
        %parallel_loop3A_191 = tpu.memref_squeeze %parallel_loop3A_190 : memref<1x64x128xf32, #tpu.memory_space<vmem>> -> memref<64x128xf32, #tpu.memory_space<vmem>>
        %parallel_loop3A_192 = arith.index_cast %parallel_loop3A_169 : i32 to index
        %parallel_loop3A_193 = arith.constant 16 : index
        %parallel_loop3A_194 = tpu.vector_load %parallel_loop3A_191[%parallel_loop3A_192, %parallel_loop3A_193] {strides = array<i32>} : memref<64x128xf32, #tpu.memory_space<vmem>>, vector<16xf32>,
        tpu.vector_store %parallel_loop3A_191[%parallel_loop3A_192, %parallel_loop3A_193], %parallel_loop3A_187 {strides = array<i32>} : memref<64x128xf32, #tpu.memory_space<vmem>>, vector<16xf32>,
        %parallel_loop3A_195 = arith.constant 0 : i32
        %parallel_loop3A_196 = arith.constant 0 : i32
        %parallel_loop3A_197 = tpu.memref_slice %arg6[%parallel_loop3A_99, %parallel_loop3A_195, %parallel_loop3A_196] : memref<2x64x512xf32, #tpu.memory_space<vmem>> -> memref<1x64x512xf32, #tpu.memory_space<vmem>>
        %parallel_loop3A_198 = tpu.memref_squeeze %parallel_loop3A_197 : memref<1x64x512xf32, #tpu.memory_space<vmem>> -> memref<64x512xf32, #tpu.memory_space<vmem>>
        %parallel_loop3A_199 = tpu.vector_load_idx %parallel_loop3A_198[%parallel_loop3A_170, %get3A_7] : memref<64x512xf32, #tpu.memory_space<vmem>>[vector<16xi32>, vector<16xi32>], vector<16xf32>,
        %parallel_loop3A_200 = arith.constant 0 : i32
        %parallel_loop3A_201 = arith.constant 0 : i32
        %parallel_loop3A_202 = tpu.memref_slice %arg7[%parallel_loop3A_100, %parallel_loop3A_200, %parallel_loop3A_201] : memref<2x64x128xf32, #tpu.memory_space<vmem>> -> memref<1x64x128xf32, #tpu.memory_space<vmem>>
        %parallel_loop3A_203 = tpu.memref_squeeze %parallel_loop3A_202 : memref<1x64x128xf32, #tpu.memory_space<vmem>> -> memref<64x128xf32, #tpu.memory_space<vmem>>
        %parallel_loop3A_204 = arith.index_cast %parallel_loop3A_169 : i32 to index
        %parallel_loop3A_205 = arith.constant 32 : index
        %parallel_loop3A_206 = tpu.vector_load %parallel_loop3A_203[%parallel_loop3A_204, %parallel_loop3A_205] {strides = array<i32>} : memref<64x128xf32, #tpu.memory_space<vmem>>, vector<16xf32>,
        tpu.vector_store %parallel_loop3A_203[%parallel_loop3A_204, %parallel_loop3A_205], %parallel_loop3A_199 {strides = array<i32>} : memref<64x128xf32, #tpu.memory_space<vmem>>, vector<16xf32>,
        %parallel_loop3A_207 = arith.constant 0 : i32
        %parallel_loop3A_208 = arith.constant 0 : i32
        %parallel_loop3A_209 = tpu.memref_slice %arg6[%parallel_loop3A_99, %parallel_loop3A_207, %parallel_loop3A_208] : memref<2x64x512xf32, #tpu.memory_space<vmem>> -> memref<1x64x512xf32, #tpu.memory_space<vmem>>
        %parallel_loop3A_210 = tpu.memref_squeeze %parallel_loop3A_209 : memref<1x64x512xf32, #tpu.memory_space<vmem>> -> memref<64x512xf32, #tpu.memory_space<vmem>>
        %parallel_loop3A_211 = tpu.vector_load_idx %parallel_loop3A_210[%parallel_loop3A_170, %get3A_9] : memref<64x512xf32, #tpu.memory_space<vmem>>[vector<16xi32>, vector<16xi32>], vector<16xf32>,
        %parallel_loop3A_212 = arith.constant 0 : i32
        %parallel_loop3A_213 = arith.constant 0 : i32
        %parallel_loop3A_214 = tpu.memref_slice %arg7[%parallel_loop3A_100, %parallel_loop3A_212, %parallel_loop3A_213] : memref<2x64x128xf32, #tpu.memory_space<vmem>> -> memref<1x64x128xf32, #tpu.memory_space<vmem>>
        %parallel_loop3A_215 = tpu.memref_squeeze %parallel_loop3A_214 : memref<1x64x128xf32, #tpu.memory_space<vmem>> -> memref<64x128xf32, #tpu.memory_space<vmem>>
        %parallel_loop3A_216 = arith.index_cast %parallel_loop3A_169 : i32 to index
        %parallel_loop3A_217 = arith.constant 48 : index
        %parallel_loop3A_218 = tpu.vector_load %parallel_loop3A_215[%parallel_loop3A_216, %parallel_loop3A_217] {strides = array<i32>} : memref<64x128xf32, #tpu.memory_space<vmem>>, vector<16xf32>,
        tpu.vector_store %parallel_loop3A_215[%parallel_loop3A_216, %parallel_loop3A_217], %parallel_loop3A_211 {strides = array<i32>} : memref<64x128xf32, #tpu.memory_space<vmem>>, vector<16xf32>,
        %parallel_loop3A_219 = arith.constant 0 : i32
        %parallel_loop3A_220 = arith.constant 0 : i32
        %parallel_loop3A_221 = tpu.memref_slice %arg6[%parallel_loop3A_99, %parallel_loop3A_219, %parallel_loop3A_220] : memref<2x64x512xf32, #tpu.memory_space<vmem>> -> memref<1x64x512xf32, #tpu.memory_space<vmem>>
        %parallel_loop3A_222 = tpu.memref_squeeze %parallel_loop3A_221 : memref<1x64x512xf32, #tpu.memory_space<vmem>> -> memref<64x512xf32, #tpu.memory_space<vmem>>
        %parallel_loop3A_223 = tpu.vector_load_idx %parallel_loop3A_222[%parallel_loop3A_170, %get3A_11] : memref<64x512xf32, #tpu.memory_space<vmem>>[vector<16xi32>, vector<16xi32>], vector<16xf32>,
        %parallel_loop3A_224 = arith.constant 0 : i32
        %parallel_loop3A_225 = arith.constant 0 : i32
        %parallel_loop3A_226 = tpu.memref_slice %arg7[%parallel_loop3A_100, %parallel_loop3A_224, %parallel_loop3A_225] : memref<2x64x128xf32, #tpu.memory_space<vmem>> -> memref<1x64x128xf32, #tpu.memory_space<vmem>>
        %parallel_loop3A_227 = tpu.memref_squeeze %parallel_loop3A_226 : memref<1x64x128xf32, #tpu.memory_space<vmem>> -> memref<64x128xf32, #tpu.memory_space<vmem>>
        %parallel_loop3A_228 = arith.index_cast %parallel_loop3A_169 : i32 to index
        %parallel_loop3A_229 = arith.constant 64 : index
        %parallel_loop3A_230 = tpu.vector_load %parallel_loop3A_227[%parallel_loop3A_228, %parallel_loop3A_229] {strides = array<i32>} : memref<64x128xf32, #tpu.memory_space<vmem>>, vector<16xf32>,
        tpu.vector_store %parallel_loop3A_227[%parallel_loop3A_228, %parallel_loop3A_229], %parallel_loop3A_223 {strides = array<i32>} : memref<64x128xf32, #tpu.memory_space<vmem>>, vector<16xf32>,
        %parallel_loop3A_231 = arith.constant 0 : i32
        %parallel_loop3A_232 = arith.constant 0 : i32
        %parallel_loop3A_233 = tpu.memref_slice %arg6[%parallel_loop3A_99, %parallel_loop3A_231, %parallel_loop3A_232] : memref<2x64x512xf32, #tpu.memory_space<vmem>> -> memref<1x64x512xf32, #tpu.memory_space<vmem>>
        %parallel_loop3A_234 = tpu.memref_squeeze %parallel_loop3A_233 : memref<1x64x512xf32, #tpu.memory_space<vmem>> -> memref<64x512xf32, #tpu.memory_space<vmem>>
        %parallel_loop3A_235 = tpu.vector_load_idx %parallel_loop3A_234[%parallel_loop3A_170, %get3A_13] : memref<64x512xf32, #tpu.memory_space<vmem>>[vector<16xi32>, vector<16xi32>], vector<16xf32>,
        %parallel_loop3A_236 = arith.constant 0 : i32
        %parallel_loop3A_237 = arith.constant 0 : i32
        %parallel_loop3A_238 = tpu.memref_slice %arg7[%parallel_loop3A_100, %parallel_loop3A_236, %parallel_loop3A_237] : memref<2x64x128xf32, #tpu.memory_space<vmem>> -> memref<1x64x128xf32, #tpu.memory_space<vmem>>
        %parallel_loop3A_239 = tpu.memref_squeeze %parallel_loop3A_238 : memref<1x64x128xf32, #tpu.memory_space<vmem>> -> memref<64x128xf32, #tpu.memory_space<vmem>>
        %parallel_loop3A_240 = arith.index_cast %parallel_loop3A_169 : i32 to index
        %parallel_loop3A_241 = arith.constant 80 : index
        %parallel_loop3A_242 = tpu.vector_load %parallel_loop3A_239[%parallel_loop3A_240, %parallel_loop3A_241] {strides = array<i32>} : memref<64x128xf32, #tpu.memory_space<vmem>>, vector<16xf32>,
        tpu.vector_store %parallel_loop3A_239[%parallel_loop3A_240, %parallel_loop3A_241], %parallel_loop3A_235 {strides = array<i32>} : memref<64x128xf32, #tpu.memory_space<vmem>>, vector<16xf32>,
        %parallel_loop3A_243 = arith.constant 0 : i32
        %parallel_loop3A_244 = arith.constant 0 : i32
        %parallel_loop3A_245 = tpu.memref_slice %arg6[%parallel_loop3A_99, %parallel_loop3A_243, %parallel_loop3A_244] : memref<2x64x512xf32, #tpu.memory_space<vmem>> -> memref<1x64x512xf32, #tpu.memory_space<vmem>>
        %parallel_loop3A_246 = tpu.memref_squeeze %parallel_loop3A_245 : memref<1x64x512xf32, #tpu.memory_space<vmem>> -> memref<64x512xf32, #tpu.memory_space<vmem>>
        %parallel_loop3A_247 = tpu.vector_load_idx %parallel_loop3A_246[%parallel_loop3A_170, %get3A_15] : memref<64x512xf32, #tpu.memory_space<vmem>>[vector<16xi32>, vector<16xi32>], vector<16xf32>,
        %parallel_loop3A_248 = arith.constant 0 : i32
        %parallel_loop3A_249 = arith.constant 0 : i32
        %parallel_loop3A_250 = tpu.memref_slice %arg7[%parallel_loop3A_100, %parallel_loop3A_248, %parallel_loop3A_249] : memref<2x64x128xf32, #tpu.memory_space<vmem>> -> memref<1x64x128xf32, #tpu.memory_space<vmem>>
        %parallel_loop3A_251 = tpu.memref_squeeze %parallel_loop3A_250 : memref<1x64x128xf32, #tpu.memory_space<vmem>> -> memref<64x128xf32, #tpu.memory_space<vmem>>
        %parallel_loop3A_252 = arith.index_cast %parallel_loop3A_169 : i32 to index
        %parallel_loop3A_253 = arith.constant 96 : index
        %parallel_loop3A_254 = tpu.vector_load %parallel_loop3A_251[%parallel_loop3A_252, %parallel_loop3A_253] {strides = array<i32>} : memref<64x128xf32, #tpu.memory_space<vmem>>, vector<16xf32>,
        tpu.vector_store %parallel_loop3A_251[%parallel_loop3A_252, %parallel_loop3A_253], %parallel_loop3A_247 {strides = array<i32>} : memref<64x128xf32, #tpu.memory_space<vmem>>, vector<16xf32>,
        %parallel_loop3A_255 = arith.constant 0 : i32
        %parallel_loop3A_256 = arith.constant 0 : i32
        %parallel_loop3A_257 = tpu.memref_slice %arg6[%parallel_loop3A_99, %parallel_loop3A_255, %parallel_loop3A_256] : memref<2x64x512xf32, #tpu.memory_space<vmem>> -> memref<1x64x512xf32, #tpu.memory_space<vmem>>
        %parallel_loop3A_258 = tpu.memref_squeeze %parallel_loop3A_257 : memref<1x64x512xf32, #tpu.memory_space<vmem>> -> memref<64x512xf32, #tpu.memory_space<vmem>>
        %parallel_loop3A_259 = tpu.vector_load_idx %parallel_loop3A_258[%parallel_loop3A_170, %get3A_17] : memref<64x512xf32, #tpu.memory_space<vmem>>[vector<16xi32>, vector<16xi32>], vector<16xf32>,
        %parallel_loop3A_260 = arith.constant 0 : i32
        %parallel_loop3A_261 = arith.constant 0 : i32
        %parallel_loop3A_262 = tpu.memref_slice %arg7[%parallel_loop3A_100, %parallel_loop3A_260, %parallel_loop3A_261] : memref<2x64x128xf32, #tpu.memory_space<vmem>> -> memref<1x64x128xf32, #tpu.memory_space<vmem>>
        %parallel_loop3A_263 = tpu.memref_squeeze %parallel_loop3A_262 : memref<1x64x128xf32, #tpu.memory_space<vmem>> -> memref<64x128xf32, #tpu.memory_space<vmem>>
        %parallel_loop3A_264 = arith.index_cast %parallel_loop3A_169 : i32 to index
        %parallel_loop3A_265 = arith.constant 112 : index
        %parallel_loop3A_266 = tpu.vector_load %parallel_loop3A_263[%parallel_loop3A_264, %parallel_loop3A_265] {strides = array<i32>} : memref<64x128xf32, #tpu.memory_space<vmem>>, vector<16xf32>,
        tpu.vector_store %parallel_loop3A_263[%parallel_loop3A_264, %parallel_loop3A_265], %parallel_loop3A_259 {strides = array<i32>} : memref<64x128xf32, #tpu.memory_space<vmem>>, vector<16xf32>,
      } {sc.loop_unroll_factor = 4 : i64, sc.parallel_access}
      %mul3A_101 = arith.constant 64 : i32
      %mul3A_102 = arith.muli %add3A_81, %mul3A_101 : i32
      %add3A_103 = arith.addi %mul3A_2, %mul3A_102 : i32
      %dma_start3A_104 = arith.constant 0 : i32
      %dma_start3A_105 = arith.constant 0 : i32
      %dma_start3A_106 = arith.constant 0 : i32
      %dma_start3A_107 = tpu.memref_slice %arg7[%dma_start3A_104, %dma_start3A_105, %dma_start3A_106] : memref<2x64x128xf32, #tpu.memory_space<vmem>> -> memref<1x64x128xf32, #tpu.memory_space<vmem>>
      %dma_start3A_108 = tpu.memref_squeeze %dma_start3A_107 : memref<1x64x128xf32, #tpu.memory_space<vmem>> -> memref<64x128xf32, #tpu.memory_space<vmem>>
      %dma_start3A_109 = arith.constant 0 : i32
      %dma_start3A_110 = tpu.memref_slice %arg4[%add3A_103, %dma_start3A_109] : memref<16384x128xf32, #tpu.memory_space<hbm>> -> memref<64x128xf32, #tpu.memory_space<hbm>>
      %dma_start3A_111 = arith.constant 0 : i32
      %dma_start3A_112 = tpu.memref_slice %arg4[%add3A_103, %dma_start3A_111] : memref<16384x128xf32, #tpu.memory_space<hbm>> -> memref<64x128xf32, #tpu.memory_space<hbm>>
      %dma_start3A_113 = arith.constant 0 : i32
      %dma_start3A_114 = arith.constant 0 : i32
      %dma_start3A_115 = tpu.memref_slice %arg7[%dma_start3A_104, %dma_start3A_113, %dma_start3A_114] : memref<2x64x128xf32, #tpu.memory_space<vmem>> -> memref<1x64x128xf32, #tpu.memory_space<vmem>>
      %dma_start3A_116 = tpu.memref_squeeze %dma_start3A_115 : memref<1x64x128xf32, #tpu.memory_space<vmem>> -> memref<64x128xf32, #tpu.memory_space<vmem>>
      tpu.enqueue_dma source(%dma_start3A_116 : memref<64x128xf32, #tpu.memory_space<vmem>>) target(%dma_start3A_112 : memref<64x128xf32, #tpu.memory_space<hbm>>) target_semaphore(%arg10 : memref<!tpu.dma_semaphore, #tpu.memory_space<semaphore_mem>>)
      %lt3A = arith.constant 3 : i32
      %lt3A_117 = arith.cmpi slt, %scan3A_77, %lt3A : i32
      %convert_element_type3A_118 = arith.extui %lt3A_117 : i1 to i32
      %cond3A_119 = arith.constant 0 : i32
      %cond3A_120 = arith.cmpi ne, %convert_element_type3A_118, %cond3A_119 : i32
      scf.if %cond3A_120 {
        %add3A_169 = arith.constant 2 : i32
        %add3A_170 = arith.addi %add3A_81, %add3A_169 : i32
        %mul3A_171 = arith.constant 64 : i32
        %mul3A_172 = arith.muli %add3A_170, %mul3A_171 : i32
        %add3A_173 = arith.addi %mul3A_2, %mul3A_172 : i32
        %dma_start3A_174 = arith.constant 0 : i32
        %dma_start3A_175 = arith.constant 0 : i32
        %dma_start3A_176 = arith.constant 0 : i32
        %dma_start3A_177 = tpu.memref_slice %arg6[%dma_start3A_174, %dma_start3A_175, %dma_start3A_176] : memref<2x64x512xf32, #tpu.memory_space<vmem>> -> memref<1x64x512xf32, #tpu.memory_space<vmem>>
        %dma_start3A_178 = tpu.memref_squeeze %dma_start3A_177 : memref<1x64x512xf32, #tpu.memory_space<vmem>> -> memref<64x512xf32, #tpu.memory_space<vmem>>
        %dma_start3A_179 = arith.constant 0 : i32
        %dma_start3A_180 = tpu.memref_slice %arg2[%add3A_173, %dma_start3A_179] : memref<16384x512xf32, #tpu.memory_space<hbm>> -> memref<64x512xf32, #tpu.memory_space<hbm>>
        %dma_start3A_181 = arith.constant 0 : i32
        %dma_start3A_182 = arith.constant 0 : i32
        %dma_start3A_183 = tpu.memref_slice %arg6[%dma_start3A_174, %dma_start3A_181, %dma_start3A_182] : memref<2x64x512xf32, #tpu.memory_space<vmem>> -> memref<1x64x512xf32, #tpu.memory_space<vmem>>
        %dma_start3A_184 = tpu.memref_squeeze %dma_start3A_183 : memref<1x64x512xf32, #tpu.memory_space<vmem>> -> memref<64x512xf32, #tpu.memory_space<vmem>>
        %dma_start3A_185 = arith.constant 0 : i32
        %dma_start3A_186 = tpu.memref_slice %arg2[%add3A_173, %dma_start3A_185] : memref<16384x512xf32, #tpu.memory_space<hbm>> -> memref<64x512xf32, #tpu.memory_space<hbm>>
        tpu.enqueue_dma source(%dma_start3A_186 : memref<64x512xf32, #tpu.memory_space<hbm>>) target(%dma_start3A_184 : memref<64x512xf32, #tpu.memory_space<vmem>>) target_semaphore(%arg8 : memref<!tpu.dma_semaphore, #tpu.memory_space<semaphore_mem>>)
      } else {
      }
      %mul3A_121 = arith.constant 2 : i32
      %mul3A_122 = arith.muli %mul3A_121, %scan3A_77 : i32
      %add3A_123 = arith.constant 1 : i32
      %add3A_124 = arith.addi %mul3A_122, %add3A_123 : i32
      %dma_wait3A_125 = arith.constant 1 : i32
      %dma_wait3A_126 = arith.constant 0 : i32
      %dma_wait3A_127 = arith.constant 0 : i32
      %dma_wait3A_128 = tpu.memref_slice %arg6[%dma_wait3A_125, %dma_wait3A_126, %dma_wait3A_127] : memref<2x64x512xf32, #tpu.memory_space<vmem>> -> memref<1x64x512xf32, #tpu.memory_space<vmem>>
      %dma_wait3A_129 = tpu.memref_squeeze %dma_wait3A_128 : memref<1x64x512xf32, #tpu.memory_space<vmem>> -> memref<64x512xf32, #tpu.memory_space<vmem>>
      %dma_wait3A_130 = arith.constant 0 : i32
      %dma_wait3A_131 = tpu.memref_slice %arg2[%mul3A_2, %dma_wait3A_130] : memref<16384x512xf32, #tpu.memory_space<hbm>> -> memref<64x512xf32, #tpu.memory_space<hbm>>
      %dma_wait3A_132 = arith.constant 0 : i32
      %dma_wait3A_133 = arith.constant 0 : i32
      %dma_wait3A_134 = tpu.memref_slice %arg6[%dma_wait3A_125, %dma_wait3A_132, %dma_wait3A_133] : memref<2x64x512xf32, #tpu.memory_space<vmem>> -> memref<1x64x512xf32, #tpu.memory_space<vmem>>
      %dma_wait3A_135 = tpu.memref_squeeze %dma_wait3A_134 : memref<1x64x512xf32, #tpu.memory_space<vmem>> -> memref<64x512xf32, #tpu.memory_space<vmem>>
      %dma_wait3A_136 = arith.constant 0 : i32
      %dma_wait3A_137 = tpu.memref_slice %arg2[%mul3A_2, %dma_wait3A_136] : memref<16384x512xf32, #tpu.memory_space<hbm>> -> memref<64x512xf32, #tpu.memory_space<hbm>>
      tpu.wait_dma2 semaphore(%arg9 : memref<!tpu.dma_semaphore, #tpu.memory_space<semaphore_mem>>) src(%dma_wait3A_137 : memref<64x512xf32, #tpu.memory_space<hbm>>) dst(%dma_wait3A_135 : memref<64x512xf32, #tpu.memory_space<vmem>>)
      %gt3A_138 = arith.constant 0 : i32
      %gt3A_139 = arith.cmpi sgt, %scan3A_77, %gt3A_138 : i32
      %convert_element_type3A_140 = arith.extui %gt3A_139 : i1 to i32
      %cond3A_141 = arith.constant 0 : i32
      %cond3A_142 = arith.cmpi ne, %convert_element_type3A_140, %cond3A_141 : i32
      scf.if %cond3A_142 {
        %dma_wait3A_169 = arith.constant 1 : i32
        %dma_wait3A_170 = arith.constant 0 : i32
        %dma_wait3A_171 = arith.constant 0 : i32
        %dma_wait3A_172 = tpu.memref_slice %arg7[%dma_wait3A_169, %dma_wait3A_170, %dma_wait3A_171] : memref<2x64x128xf32, #tpu.memory_space<vmem>> -> memref<1x64x128xf32, #tpu.memory_space<vmem>>
        %dma_wait3A_173 = tpu.memref_squeeze %dma_wait3A_172 : memref<1x64x128xf32, #tpu.memory_space<vmem>> -> memref<64x128xf32, #tpu.memory_space<vmem>>
        %dma_wait3A_174 = arith.constant 0 : i32
        %dma_wait3A_175 = tpu.memref_slice %arg4[%mul3A_2, %dma_wait3A_174] : memref<16384x128xf32, #tpu.memory_space<hbm>> -> memref<64x128xf32, #tpu.memory_space<hbm>>
        %dma_wait3A_176 = arith.constant 0 : i32
        %dma_wait3A_177 = tpu.memref_slice %arg4[%mul3A_2, %dma_wait3A_176] : memref<16384x128xf32, #tpu.memory_space<hbm>> -> memref<64x128xf32, #tpu.memory_space<hbm>>
        %dma_wait3A_178 = arith.constant 0 : i32
        %dma_wait3A_179 = arith.constant 0 : i32
        %dma_wait3A_180 = tpu.memref_slice %arg7[%dma_wait3A_169, %dma_wait3A_178, %dma_wait3A_179] : memref<2x64x128xf32, #tpu.memory_space<vmem>> -> memref<1x64x128xf32, #tpu.memory_space<vmem>>
        %dma_wait3A_181 = tpu.memref_squeeze %dma_wait3A_180 : memref<1x64x128xf32, #tpu.memory_space<vmem>> -> memref<64x128xf32, #tpu.memory_space<vmem>>
        tpu.wait_dma2 semaphore(%arg11 : memref<!tpu.dma_semaphore, #tpu.memory_space<semaphore_mem>>) src(%dma_wait3A_181 : memref<64x128xf32, #tpu.memory_space<vmem>>) dst(%dma_wait3A_177 : memref<64x128xf32, #tpu.memory_space<hbm>>)
      } else {
      }
      %parallel_loop3A_143 = arith.constant 0 : i32
      %parallel_loop3A_144 = arith.constant 64 : i32
      %parallel_loop3A_145 = arith.constant 1 : i32
      %parallel_loop3A_146 = arith.constant 1 : i32
      %parallel_loop3A_147 = arith.constant 1 : i32
      scf.for %parallel_loop3A_169 = %parallel_loop3A_143 to %parallel_loop3A_144 step %parallel_loop3A_145  : i32 {
        %parallel_loop3A_170 = vector.broadcast %parallel_loop3A_169 : i32 to vector<16xi32>
        %parallel_loop3A_171 = arith.constant 0 : i32
        %parallel_loop3A_172 = arith.constant 0 : i32
        %parallel_loop3A_173 = tpu.memref_slice %arg6[%parallel_loop3A_146, %parallel_loop3A_171, %parallel_loop3A_172] : memref<2x64x512xf32, #tpu.memory_space<vmem>> -> memref<1x64x512xf32, #tpu.memory_space<vmem>>
        %parallel_loop3A_174 = tpu.memref_squeeze %parallel_loop3A_173 : memref<1x64x512xf32, #tpu.memory_space<vmem>> -> memref<64x512xf32, #tpu.memory_space<vmem>>
        %parallel_loop3A_175 = tpu.vector_load_idx %parallel_loop3A_174[%parallel_loop3A_170, %get3A_3] : memref<64x512xf32, #tpu.memory_space<vmem>>[vector<16xi32>, vector<16xi32>], vector<16xf32>,
        %parallel_loop3A_176 = arith.constant 0 : i32
        %parallel_loop3A_177 = arith.constant 0 : i32
        %parallel_loop3A_178 = tpu.memref_slice %arg7[%parallel_loop3A_147, %parallel_loop3A_176, %parallel_loop3A_177] : memref<2x64x128xf32, #tpu.memory_space<vmem>> -> memref<1x64x128xf32, #tpu.memory_space<vmem>>
        %parallel_loop3A_179 = tpu.memref_squeeze %parallel_loop3A_178 : memref<1x64x128xf32, #tpu.memory_space<vmem>> -> memref<64x128xf32, #tpu.memory_space<vmem>>
        %parallel_loop3A_180 = arith.index_cast %parallel_loop3A_169 : i32 to index
        %parallel_loop3A_181 = arith.constant 0 : index
        %parallel_loop3A_182 = tpu.vector_load %parallel_loop3A_179[%parallel_loop3A_180, %parallel_loop3A_181] {strides = array<i32>} : memref<64x128xf32, #tpu.memory_space<vmem>>, vector<16xf32>,
        tpu.vector_store %parallel_loop3A_179[%parallel_loop3A_180, %parallel_loop3A_181], %parallel_loop3A_175 {strides = array<i32>} : memref<64x128xf32, #tpu.memory_space<vmem>>, vector<16xf32>,
        %parallel_loop3A_183 = arith.constant 0 : i32
        %parallel_loop3A_184 = arith.constant 0 : i32
        %parallel_loop3A_185 = tpu.memref_slice %arg6[%parallel_loop3A_146, %parallel_loop3A_183, %parallel_loop3A_184] : memref<2x64x512xf32, #tpu.memory_space<vmem>> -> memref<1x64x512xf32, #tpu.memory_space<vmem>>
        %parallel_loop3A_186 = tpu.memref_squeeze %parallel_loop3A_185 : memref<1x64x512xf32, #tpu.memory_space<vmem>> -> memref<64x512xf32, #tpu.memory_space<vmem>>
        %parallel_loop3A_187 = tpu.vector_load_idx %parallel_loop3A_186[%parallel_loop3A_170, %get3A_5] : memref<64x512xf32, #tpu.memory_space<vmem>>[vector<16xi32>, vector<16xi32>], vector<16xf32>,
        %parallel_loop3A_188 = arith.constant 0 : i32
        %parallel_loop3A_189 = arith.constant 0 : i32
        %parallel_loop3A_190 = tpu.memref_slice %arg7[%parallel_loop3A_147, %parallel_loop3A_188, %parallel_loop3A_189] : memref<2x64x128xf32, #tpu.memory_space<vmem>> -> memref<1x64x128xf32, #tpu.memory_space<vmem>>
        %parallel_loop3A_191 = tpu.memref_squeeze %parallel_loop3A_190 : memref<1x64x128xf32, #tpu.memory_space<vmem>> -> memref<64x128xf32, #tpu.memory_space<vmem>>
        %parallel_loop3A_192 = arith.index_cast %parallel_loop3A_169 : i32 to index
        %parallel_loop3A_193 = arith.constant 16 : index
        %parallel_loop3A_194 = tpu.vector_load %parallel_loop3A_191[%parallel_loop3A_192, %parallel_loop3A_193] {strides = array<i32>} : memref<64x128xf32, #tpu.memory_space<vmem>>, vector<16xf32>,
        tpu.vector_store %parallel_loop3A_191[%parallel_loop3A_192, %parallel_loop3A_193], %parallel_loop3A_187 {strides = array<i32>} : memref<64x128xf32, #tpu.memory_space<vmem>>, vector<16xf32>,
        %parallel_loop3A_195 = arith.constant 0 : i32
        %parallel_loop3A_196 = arith.constant 0 : i32
        %parallel_loop3A_197 = tpu.memref_slice %arg6[%parallel_loop3A_146, %parallel_loop3A_195, %parallel_loop3A_196] : memref<2x64x512xf32, #tpu.memory_space<vmem>> -> memref<1x64x512xf32, #tpu.memory_space<vmem>>
        %parallel_loop3A_198 = tpu.memref_squeeze %parallel_loop3A_197 : memref<1x64x512xf32, #tpu.memory_space<vmem>> -> memref<64x512xf32, #tpu.memory_space<vmem>>
        %parallel_loop3A_199 = tpu.vector_load_idx %parallel_loop3A_198[%parallel_loop3A_170, %get3A_7] : memref<64x512xf32, #tpu.memory_space<vmem>>[vector<16xi32>, vector<16xi32>], vector<16xf32>,
        %parallel_loop3A_200 = arith.constant 0 : i32
        %parallel_loop3A_201 = arith.constant 0 : i32
        %parallel_loop3A_202 = tpu.memref_slice %arg7[%parallel_loop3A_147, %parallel_loop3A_200, %parallel_loop3A_201] : memref<2x64x128xf32, #tpu.memory_space<vmem>> -> memref<1x64x128xf32, #tpu.memory_space<vmem>>
        %parallel_loop3A_203 = tpu.memref_squeeze %parallel_loop3A_202 : memref<1x64x128xf32, #tpu.memory_space<vmem>> -> memref<64x128xf32, #tpu.memory_space<vmem>>
        %parallel_loop3A_204 = arith.index_cast %parallel_loop3A_169 : i32 to index
        %parallel_loop3A_205 = arith.constant 32 : index
        %parallel_loop3A_206 = tpu.vector_load %parallel_loop3A_203[%parallel_loop3A_204, %parallel_loop3A_205] {strides = array<i32>} : memref<64x128xf32, #tpu.memory_space<vmem>>, vector<16xf32>,
        tpu.vector_store %parallel_loop3A_203[%parallel_loop3A_204, %parallel_loop3A_205], %parallel_loop3A_199 {strides = array<i32>} : memref<64x128xf32, #tpu.memory_space<vmem>>, vector<16xf32>,
        %parallel_loop3A_207 = arith.constant 0 : i32
        %parallel_loop3A_208 = arith.constant 0 : i32
        %parallel_loop3A_209 = tpu.memref_slice %arg6[%parallel_loop3A_146, %parallel_loop3A_207, %parallel_loop3A_208] : memref<2x64x512xf32, #tpu.memory_space<vmem>> -> memref<1x64x512xf32, #tpu.memory_space<vmem>>
        %parallel_loop3A_210 = tpu.memref_squeeze %parallel_loop3A_209 : memref<1x64x512xf32, #tpu.memory_space<vmem>> -> memref<64x512xf32, #tpu.memory_space<vmem>>
        %parallel_loop3A_211 = tpu.vector_load_idx %parallel_loop3A_210[%parallel_loop3A_170, %get3A_9] : memref<64x512xf32, #tpu.memory_space<vmem>>[vector<16xi32>, vector<16xi32>], vector<16xf32>,
        %parallel_loop3A_212 = arith.constant 0 : i32
        %parallel_loop3A_213 = arith.constant 0 : i32
        %parallel_loop3A_214 = tpu.memref_slice %arg7[%parallel_loop3A_147, %parallel_loop3A_212, %parallel_loop3A_213] : memref<2x64x128xf32, #tpu.memory_space<vmem>> -> memref<1x64x128xf32, #tpu.memory_space<vmem>>
        %parallel_loop3A_215 = tpu.memref_squeeze %parallel_loop3A_214 : memref<1x64x128xf32, #tpu.memory_space<vmem>> -> memref<64x128xf32, #tpu.memory_space<vmem>>
        %parallel_loop3A_216 = arith.index_cast %parallel_loop3A_169 : i32 to index
        %parallel_loop3A_217 = arith.constant 48 : index
        %parallel_loop3A_218 = tpu.vector_load %parallel_loop3A_215[%parallel_loop3A_216, %parallel_loop3A_217] {strides = array<i32>} : memref<64x128xf32, #tpu.memory_space<vmem>>, vector<16xf32>,
        tpu.vector_store %parallel_loop3A_215[%parallel_loop3A_216, %parallel_loop3A_217], %parallel_loop3A_211 {strides = array<i32>} : memref<64x128xf32, #tpu.memory_space<vmem>>, vector<16xf32>,
        %parallel_loop3A_219 = arith.constant 0 : i32
        %parallel_loop3A_220 = arith.constant 0 : i32
        %parallel_loop3A_221 = tpu.memref_slice %arg6[%parallel_loop3A_146, %parallel_loop3A_219, %parallel_loop3A_220] : memref<2x64x512xf32, #tpu.memory_space<vmem>> -> memref<1x64x512xf32, #tpu.memory_space<vmem>>
        %parallel_loop3A_222 = tpu.memref_squeeze %parallel_loop3A_221 : memref<1x64x512xf32, #tpu.memory_space<vmem>> -> memref<64x512xf32, #tpu.memory_space<vmem>>
        %parallel_loop3A_223 = tpu.vector_load_idx %parallel_loop3A_222[%parallel_loop3A_170, %get3A_11] : memref<64x512xf32, #tpu.memory_space<vmem>>[vector<16xi32>, vector<16xi32>], vector<16xf32>,
        %parallel_loop3A_224 = arith.constant 0 : i32
        %parallel_loop3A_225 = arith.constant 0 : i32
        %parallel_loop3A_226 = tpu.memref_slice %arg7[%parallel_loop3A_147, %parallel_loop3A_224, %parallel_loop3A_225] : memref<2x64x128xf32, #tpu.memory_space<vmem>> -> memref<1x64x128xf32, #tpu.memory_space<vmem>>
        %parallel_loop3A_227 = tpu.memref_squeeze %parallel_loop3A_226 : memref<1x64x128xf32, #tpu.memory_space<vmem>> -> memref<64x128xf32, #tpu.memory_space<vmem>>
        %parallel_loop3A_228 = arith.index_cast %parallel_loop3A_169 : i32 to index
        %parallel_loop3A_229 = arith.constant 64 : index
        %parallel_loop3A_230 = tpu.vector_load %parallel_loop3A_227[%parallel_loop3A_228, %parallel_loop3A_229] {strides = array<i32>} : memref<64x128xf32, #tpu.memory_space<vmem>>, vector<16xf32>,
        tpu.vector_store %parallel_loop3A_227[%parallel_loop3A_228, %parallel_loop3A_229], %parallel_loop3A_223 {strides = array<i32>} : memref<64x128xf32, #tpu.memory_space<vmem>>, vector<16xf32>,
        %parallel_loop3A_231 = arith.constant 0 : i32
        %parallel_loop3A_232 = arith.constant 0 : i32
        %parallel_loop3A_233 = tpu.memref_slice %arg6[%parallel_loop3A_146, %parallel_loop3A_231, %parallel_loop3A_232] : memref<2x64x512xf32, #tpu.memory_space<vmem>> -> memref<1x64x512xf32, #tpu.memory_space<vmem>>
        %parallel_loop3A_234 = tpu.memref_squeeze %parallel_loop3A_233 : memref<1x64x512xf32, #tpu.memory_space<vmem>> -> memref<64x512xf32, #tpu.memory_space<vmem>>
        %parallel_loop3A_235 = tpu.vector_load_idx %parallel_loop3A_234[%parallel_loop3A_170, %get3A_13] : memref<64x512xf32, #tpu.memory_space<vmem>>[vector<16xi32>, vector<16xi32>], vector<16xf32>,
        %parallel_loop3A_236 = arith.constant 0 : i32
        %parallel_loop3A_237 = arith.constant 0 : i32
        %parallel_loop3A_238 = tpu.memref_slice %arg7[%parallel_loop3A_147, %parallel_loop3A_236, %parallel_loop3A_237] : memref<2x64x128xf32, #tpu.memory_space<vmem>> -> memref<1x64x128xf32, #tpu.memory_space<vmem>>
        %parallel_loop3A_239 = tpu.memref_squeeze %parallel_loop3A_238 : memref<1x64x128xf32, #tpu.memory_space<vmem>> -> memref<64x128xf32, #tpu.memory_space<vmem>>
        %parallel_loop3A_240 = arith.index_cast %parallel_loop3A_169 : i32 to index
        %parallel_loop3A_241 = arith.constant 80 : index
        %parallel_loop3A_242 = tpu.vector_load %parallel_loop3A_239[%parallel_loop3A_240, %parallel_loop3A_241] {strides = array<i32>} : memref<64x128xf32, #tpu.memory_space<vmem>>, vector<16xf32>,
        tpu.vector_store %parallel_loop3A_239[%parallel_loop3A_240, %parallel_loop3A_241], %parallel_loop3A_235 {strides = array<i32>} : memref<64x128xf32, #tpu.memory_space<vmem>>, vector<16xf32>,
        %parallel_loop3A_243 = arith.constant 0 : i32
        %parallel_loop3A_244 = arith.constant 0 : i32
        %parallel_loop3A_245 = tpu.memref_slice %arg6[%parallel_loop3A_146, %parallel_loop3A_243, %parallel_loop3A_244] : memref<2x64x512xf32, #tpu.memory_space<vmem>> -> memref<1x64x512xf32, #tpu.memory_space<vmem>>
        %parallel_loop3A_246 = tpu.memref_squeeze %parallel_loop3A_245 : memref<1x64x512xf32, #tpu.memory_space<vmem>> -> memref<64x512xf32, #tpu.memory_space<vmem>>
        %parallel_loop3A_247 = tpu.vector_load_idx %parallel_loop3A_246[%parallel_loop3A_170, %get3A_15] : memref<64x512xf32, #tpu.memory_space<vmem>>[vector<16xi32>, vector<16xi32>], vector<16xf32>,
        %parallel_loop3A_248 = arith.constant 0 : i32
        %parallel_loop3A_249 = arith.constant 0 : i32
        %parallel_loop3A_250 = tpu.memref_slice %arg7[%parallel_loop3A_147, %parallel_loop3A_248, %parallel_loop3A_249] : memref<2x64x128xf32, #tpu.memory_space<vmem>> -> memref<1x64x128xf32, #tpu.memory_space<vmem>>
        %parallel_loop3A_251 = tpu.memref_squeeze %parallel_loop3A_250 : memref<1x64x128xf32, #tpu.memory_space<vmem>> -> memref<64x128xf32, #tpu.memory_space<vmem>>
        %parallel_loop3A_252 = arith.index_cast %parallel_loop3A_169 : i32 to index
        %parallel_loop3A_253 = arith.constant 96 : index
        %parallel_loop3A_254 = tpu.vector_load %parallel_loop3A_251[%parallel_loop3A_252, %parallel_loop3A_253] {strides = array<i32>} : memref<64x128xf32, #tpu.memory_space<vmem>>, vector<16xf32>,
        tpu.vector_store %parallel_loop3A_251[%parallel_loop3A_252, %parallel_loop3A_253], %parallel_loop3A_247 {strides = array<i32>} : memref<64x128xf32, #tpu.memory_space<vmem>>, vector<16xf32>,
        %parallel_loop3A_255 = arith.constant 0 : i32
        %parallel_loop3A_256 = arith.constant 0 : i32
        %parallel_loop3A_257 = tpu.memref_slice %arg6[%parallel_loop3A_146, %parallel_loop3A_255, %parallel_loop3A_256] : memref<2x64x512xf32, #tpu.memory_space<vmem>> -> memref<1x64x512xf32, #tpu.memory_space<vmem>>
        %parallel_loop3A_258 = tpu.memref_squeeze %parallel_loop3A_257 : memref<1x64x512xf32, #tpu.memory_space<vmem>> -> memref<64x512xf32, #tpu.memory_space<vmem>>
        %parallel_loop3A_259 = tpu.vector_load_idx %parallel_loop3A_258[%parallel_loop3A_170, %get3A_17] : memref<64x512xf32, #tpu.memory_space<vmem>>[vector<16xi32>, vector<16xi32>], vector<16xf32>,
        %parallel_loop3A_260 = arith.constant 0 : i32
        %parallel_loop3A_261 = arith.constant 0 : i32
        %parallel_loop3A_262 = tpu.memref_slice %arg7[%parallel_loop3A_147, %parallel_loop3A_260, %parallel_loop3A_261] : memref<2x64x128xf32, #tpu.memory_space<vmem>> -> memref<1x64x128xf32, #tpu.memory_space<vmem>>
        %parallel_loop3A_263 = tpu.memref_squeeze %parallel_loop3A_262 : memref<1x64x128xf32, #tpu.memory_space<vmem>> -> memref<64x128xf32, #tpu.memory_space<vmem>>
        %parallel_loop3A_264 = arith.index_cast %parallel_loop3A_169 : i32 to index
        %parallel_loop3A_265 = arith.constant 112 : index
        %parallel_loop3A_266 = tpu.vector_load %parallel_loop3A_263[%parallel_loop3A_264, %parallel_loop3A_265] {strides = array<i32>} : memref<64x128xf32, #tpu.memory_space<vmem>>, vector<16xf32>,
        tpu.vector_store %parallel_loop3A_263[%parallel_loop3A_264, %parallel_loop3A_265], %parallel_loop3A_259 {strides = array<i32>} : memref<64x128xf32, #tpu.memory_space<vmem>>, vector<16xf32>,
      } {sc.loop_unroll_factor = 4 : i64, sc.parallel_access}
      %mul3A_148 = arith.constant 64 : i32
      %mul3A_149 = arith.muli %add3A_124, %mul3A_148 : i32
      %add3A_150 = arith.addi %mul3A_2, %mul3A_149 : i32
      %dma_start3A_151 = arith.constant 1 : i32
      %dma_start3A_152 = arith.constant 0 : i32
      %dma_start3A_153 = arith.constant 0 : i32
      %dma_start3A_154 = tpu.memref_slice %arg7[%dma_start3A_151, %dma_start3A_152, %dma_start3A_153] : memref<2x64x128xf32, #tpu.memory_space<vmem>> -> memref<1x64x128xf32, #tpu.memory_space<vmem>>
      %dma_start3A_155 = tpu.memref_squeeze %dma_start3A_154 : memref<1x64x128xf32, #tpu.memory_space<vmem>> -> memref<64x128xf32, #tpu.memory_space<vmem>>
      %dma_start3A_156 = arith.constant 0 : i32
      %dma_start3A_157 = tpu.memref_slice %arg4[%add3A_150, %dma_start3A_156] : memref<16384x128xf32, #tpu.memory_space<hbm>> -> memref<64x128xf32, #tpu.memory_space<hbm>>
      %dma_start3A_158 = arith.constant 0 : i32
      %dma_start3A_159 = tpu.memref_slice %arg4[%add3A_150, %dma_start3A_158] : memref<16384x128xf32, #tpu.memory_space<hbm>> -> memref<64x128xf32, #tpu.memory_space<hbm>>
      %dma_start3A_160 = arith.constant 0 : i32
      %dma_start3A_161 = arith.constant 0 : i32
      %dma_start3A_162 = tpu.memref_slice %arg7[%dma_start3A_151, %dma_start3A_160, %dma_start3A_161] : memref<2x64x128xf32, #tpu.memory_space<vmem>> -> memref<1x64x128xf32, #tpu.memory_space<vmem>>
      %dma_start3A_163 = tpu.memref_squeeze %dma_start3A_162 : memref<1x64x128xf32, #tpu.memory_space<vmem>> -> memref<64x128xf32, #tpu.memory_space<vmem>>
      tpu.enqueue_dma source(%dma_start3A_163 : memref<64x128xf32, #tpu.memory_space<vmem>>) target(%dma_start3A_159 : memref<64x128xf32, #tpu.memory_space<hbm>>) target_semaphore(%arg11 : memref<!tpu.dma_semaphore, #tpu.memory_space<semaphore_mem>>)
      %lt3A_164 = arith.constant 3 : i32
      %lt3A_165 = arith.cmpi slt, %scan3A_77, %lt3A_164 : i32
      %convert_element_type3A_166 = arith.extui %lt3A_165 : i1 to i32
      %cond3A_167 = arith.constant 0 : i32
      %cond3A_168 = arith.cmpi ne, %convert_element_type3A_166, %cond3A_167 : i32
      scf.if %cond3A_168 {
        %add3A_169 = arith.constant 2 : i32
        %add3A_170 = arith.addi %add3A_124, %add3A_169 : i32
        %mul3A_171 = arith.constant 64 : i32
        %mul3A_172 = arith.muli %add3A_170, %mul3A_171 : i32
        %add3A_173 = arith.addi %mul3A_2, %mul3A_172 : i32
        %dma_start3A_174 = arith.constant 1 : i32
        %dma_start3A_175 = arith.constant 0 : i32
        %dma_start3A_176 = arith.constant 0 : i32
        %dma_start3A_177 = tpu.memref_slice %arg6[%dma_start3A_174, %dma_start3A_175, %dma_start3A_176] : memref<2x64x512xf32, #tpu.memory_space<vmem>> -> memref<1x64x512xf32, #tpu.memory_space<vmem>>
        %dma_start3A_178 = tpu.memref_squeeze %dma_start3A_177 : memref<1x64x512xf32, #tpu.memory_space<vmem>> -> memref<64x512xf32, #tpu.memory_space<vmem>>
        %dma_start3A_179 = arith.constant 0 : i32
        %dma_start3A_180 = tpu.memref_slice %arg2[%add3A_173, %dma_start3A_179] : memref<16384x512xf32, #tpu.memory_space<hbm>> -> memref<64x512xf32, #tpu.memory_space<hbm>>
        %dma_start3A_181 = arith.constant 0 : i32
        %dma_start3A_182 = arith.constant 0 : i32
        %dma_start3A_183 = tpu.memref_slice %arg6[%dma_start3A_174, %dma_start3A_181, %dma_start3A_182] : memref<2x64x512xf32, #tpu.memory_space<vmem>> -> memref<1x64x512xf32, #tpu.memory_space<vmem>>
        %dma_start3A_184 = tpu.memref_squeeze %dma_start3A_183 : memref<1x64x512xf32, #tpu.memory_space<vmem>> -> memref<64x512xf32, #tpu.memory_space<vmem>>
        %dma_start3A_185 = arith.constant 0 : i32
        %dma_start3A_186 = tpu.memref_slice %arg2[%add3A_173, %dma_start3A_185] : memref<16384x512xf32, #tpu.memory_space<hbm>> -> memref<64x512xf32, #tpu.memory_space<hbm>>
        tpu.enqueue_dma source(%dma_start3A_186 : memref<64x512xf32, #tpu.memory_space<hbm>>) target(%dma_start3A_184 : memref<64x512xf32, #tpu.memory_space<vmem>>) target_semaphore(%arg9 : memref<!tpu.dma_semaphore, #tpu.memory_space<semaphore_mem>>)
      } else {
      }
    }
    %scan3A_51 = arith.constant 4 : i32
    %dma_wait3A = arith.constant 0 : i32
    %dma_wait3A_52 = arith.constant 0 : i32
    %dma_wait3A_53 = arith.constant 0 : i32
    %dma_wait3A_54 = tpu.memref_slice %arg7[%dma_wait3A, %dma_wait3A_52, %dma_wait3A_53] : memref<2x64x128xf32, #tpu.memory_space<vmem>> -> memref<1x64x128xf32, #tpu.memory_space<vmem>>
    %dma_wait3A_55 = tpu.memref_squeeze %dma_wait3A_54 : memref<1x64x128xf32, #tpu.memory_space<vmem>> -> memref<64x128xf32, #tpu.memory_space<vmem>>
    %dma_wait3A_56 = arith.constant 0 : i32
    %dma_wait3A_57 = tpu.memref_slice %arg4[%mul3A_2, %dma_wait3A_56] : memref<16384x128xf32, #tpu.memory_space<hbm>> -> memref<64x128xf32, #tpu.memory_space<hbm>>
    %dma_wait3A_58 = arith.constant 0 : i32
    %dma_wait3A_59 = tpu.memref_slice %arg4[%mul3A_2, %dma_wait3A_58] : memref<16384x128xf32, #tpu.memory_space<hbm>> -> memref<64x128xf32, #tpu.memory_space<hbm>>
    %dma_wait3A_60 = arith.constant 0 : i32
    %dma_wait3A_61 = arith.constant 0 : i32
    %dma_wait3A_62 = tpu.memref_slice %arg7[%dma_wait3A, %dma_wait3A_60, %dma_wait3A_61] : memref<2x64x128xf32, #tpu.memory_space<vmem>> -> memref<1x64x128xf32, #tpu.memory_space<vmem>>
    %dma_wait3A_63 = tpu.memref_squeeze %dma_wait3A_62 : memref<1x64x128xf32, #tpu.memory_space<vmem>> -> memref<64x128xf32, #tpu.memory_space<vmem>>
    tpu.wait_dma2 semaphore(%arg10 : memref<!tpu.dma_semaphore, #tpu.memory_space<semaphore_mem>>) src(%dma_wait3A_63 : memref<64x128xf32, #tpu.memory_space<vmem>>) dst(%dma_wait3A_59 : memref<64x128xf32, #tpu.memory_space<hbm>>)
    %dma_wait3A_64 = arith.constant 1 : i32
    %dma_wait3A_65 = arith.constant 0 : i32
    %dma_wait3A_66 = arith.constant 0 : i32
    %dma_wait3A_67 = tpu.memref_slice %arg7[%dma_wait3A_64, %dma_wait3A_65, %dma_wait3A_66] : memref<2x64x128xf32, #tpu.memory_space<vmem>> -> memref<1x64x128xf32, #tpu.memory_space<vmem>>
    %dma_wait3A_68 = tpu.memref_squeeze %dma_wait3A_67 : memref<1x64x128xf32, #tpu.memory_space<vmem>> -> memref<64x128xf32, #tpu.memory_space<vmem>>
    %dma_wait3A_69 = arith.constant 0 : i32
    %dma_wait3A_70 = tpu.memref_slice %arg4[%mul3A_2, %dma_wait3A_69] : memref<16384x128xf32, #tpu.memory_space<hbm>> -> memref<64x128xf32, #tpu.memory_space<hbm>>
    %dma_wait3A_71 = arith.constant 0 : i32
    %dma_wait3A_72 = tpu.memref_slice %arg4[%mul3A_2, %dma_wait3A_71] : memref<16384x128xf32, #tpu.memory_space<hbm>> -> memref<64x128xf32, #tpu.memory_space<hbm>>
    %dma_wait3A_73 = arith.constant 0 : i32
    %dma_wait3A_74 = arith.constant 0 : i32
    %dma_wait3A_75 = tpu.memref_slice %arg7[%dma_wait3A_64, %dma_wait3A_73, %dma_wait3A_74] : memref<2x64x128xf32, #tpu.memory_space<vmem>> -> memref<1x64x128xf32, #tpu.memory_space<vmem>>
    %dma_wait3A_76 = tpu.memref_squeeze %dma_wait3A_75 : memref<1x64x128xf32, #tpu.memory_space<vmem>> -> memref<64x128xf32, #tpu.memory_space<vmem>>
    tpu.wait_dma2 semaphore(%arg11 : memref<!tpu.dma_semaphore, #tpu.memory_space<semaphore_mem>>) src(%dma_wait3A_76 : memref<64x128xf32, #tpu.memory_space<vmem>>) dst(%dma_wait3A_72 : memref<64x128xf32, #tpu.memory_space<hbm>>)
    return
  }
}

</mosaic_0001>

<sc_bundles>
// kernel: kernel.3.cloned.1.call-start
scs
__scs_entry_jumppad:
0x0: {  	(pc) =	sbr.rel $0x88, $3  }
0x1: {  	(tag) =	ssettag $0x0;
	lr =	simm.s32 $0x1  }
0x2: {  	[smem:$0x3F9F] =	sst lr;
	_ =	strace $0xD0000000  }
0x3: {  	_ = 	snop  }
0x4: {  	_ = 	snop  }
0x5: {  	_ = 	snop  }
0x6: {  	_ = 	snop  }
0x7: {  	_ = 	snop  }
__scs_overlays_trampoline_lowered:
0x8: {  	[smem:$0x3FAE] =	sst s0  }
0x9: {  	[smem:$0x3FAF] =	sst s1  }
0xa: {  	[smem:$0x3FB0] =	sst s2  }
0xb: {  	[smem:$0x3FB1] =	sst s3  }
0xc: {  	[smem:$0x3FB2] =	sst s4  }
0xd: {  	[smem:$0x3FB3] =	sst s5  }
0xe: {  	[smem:$0x3FB4] =	sst s6  }
0xf: {  	[smem:$0x3FB5] =	sst s7  }
0x10: {  	[smem:$0x3FB6] =	sst s8  }
0x11: {  	[smem:$0x3FB7] =	sst s9;
	s0 =	simm.s32 @!p0 $0x0  }
0x12: {  	s1 =	sld [smem:$0x3F9D];
	s0 =	simm.s32 @p0 $0x1  }
0x13: {  	[smem:$0x3FB8] =	sst s0;
	s0 =	simm.s32 @!p1 $0x0  }
0x14: {  	s2 =	sld [smem:$0x3F9C];
	s0 =	simm.s32 @p1 $0x1  }
0x15: {  	[smem:$0x3FB9] =	sst s0;
	s0 =	simm.s32 @!p2 $0x0  }
0x16: {  	s3 =	sld [smem:$0x3FDB];
	s0 =	simm.s32 @p2 $0x1  }
0x17: {  	s4 =	simm.s32 $0x1BF5;
	[smem:$0x3FBB] =	sst s0  }
0x18: {  	s0 =	sld [smem:$0x3F9E];
	_ =	swait.ge [sflag:s4], $0x0  }
0x19: {  	s7 =	sld [smem:$0x3F9F]  }
0x1a: {  	s8 =	sadd.s32 $0xFFFFE003, lr  }
0x1b: {  	s9 =	sadd.s32 $0xFFFFFEF7, lr;
	s5 =	simm.s32 $0xFFFFFFFF;
	p2 =	slt.u32 s8, $0xFFFFF086  }
0x1c: {  	p1 =	slt.u32 s9, $0xF7A;
	s5 =	simm.s32 @!p2 $0x0  }
0x1d: {  	s5 =	simm.s32 @p1 $0x1;
	p0 =	seq.s32 s7, s2  }
0x1e: {  	s7 =	smul.u32 @!p0 $0xF7A, s2;
	p2 =	seq.s32 @!p0 s5, $0x0  }
0x1f: {  	s9 =	smul.u32 $0xF7A, s1;
	s8 =	simm.s32 @!p0 $0x1BF5;
	p2 =	por !p2, p0  }
0x20: {  	[sflag:s8] =	ssyncset.s32 @!p0 $0xFFFFF086;
	s6 =	sadd.s32 @!p0 s3, s7;
	s7 =	simm.s32 @!p0 $0x108  }
0x21: {  	s3 =	sadd.s32 s3, s9;
	s6 =	sadd.s32 @!p0 $0x88, s6;
	s7 =	simm.s32 @p2 $0x1082  }
0x22: {  	[simem:s7], [sflag:s8] =	dma.local @!p0 [hbm:s6], $0xF7A  }
0x23: {  	s9 =	sor.u32 $0xD0000000, s2;
	s6 =	simm.s32 $0x108;
	_ =	swait.ge @!p0 [sflag:s8], $0x0  }
0x24: {  	s3 =	sadd.s32 $0x88, s3;
	s6 =	simm.s32 @!p1 $0x1082;
	[sflag:s4] =	ssyncset.s32 $0xFFFFF086  }
0x25: {  	[simem:s6], [sflag:s4] =	dma.local [hbm:s3], $0xF7A  }
0x26: {  	[smem:$0x3F9F] =	sst s1;
	(tag) =	ssettag s2;
	_ =	strace s9  }
0x27: {  	s1 =	sld [smem:$0x3FAF]  }
0x28: {  	s2 =	sld [smem:$0x3FB0]  }
0x29: {  	s4 =	sld [smem:$0x3FB2]  }
0x2a: {  	p0 =	seq.s32 s5, $0x0;
	s5 =	sld [smem:$0x3FB3]  }
0x2b: {  	s6 =	sld [smem:$0x3FB4]  }
0x2c: {  	s7 =	sld [smem:$0x3FB5]  }
0x2d: {  	s3 =	simm.s32 $0x108;
	s8 =	sld [smem:$0x3FB6]  }
0x2e: {  	s3 =	simm.s32 @!p0 $0x1082;
	s9 =	sld [smem:$0x3FB7]  }
0x2f: {  	lr =	sadd.s32 s0, s3;
	s0 =	sld [smem:$0x3FAE]  }
0x30: {  	s3 =	sld [smem:$0x3FB1]  }
0x31: {  	[smem:$0x3FBA] =	sst s10  }
0x32: {  	s10 =	sld [smem:$0x3FB8];
	_ =	sdelay $0x3  }
0x33: {  	p0 =	seq.s32 s10, $0x1;
	s10 =	sld [smem:$0x3FBA];
	_ =	sdelay $0x3  }
0x34: {  	[smem:$0x3FBA] =	sst s10  }
0x35: {  	s10 =	sld [smem:$0x3FB9];
	_ =	sdelay $0x3  }
0x36: {  	p1 =	seq.s32 s10, $0x1;
	s10 =	sld [smem:$0x3FBA];
	_ =	sdelay $0x3  }
0x37: {  	[smem:$0x3FBA] =	sst s10  }
0x38: {  	s10 =	sld [smem:$0x3FBB]  }
0x39: {  	_ = 	snop;
	(pc) =	sbr.ind lr, $3  }
0x3a: {  	_ = 	snop  }
0x3b: {  	_ = 	snop  }
0x3c: {  	p2 =	seq.s32 s10, $0x1;
	s10 =	sld [smem:$0x3FBA]  }
0x3d: {  	_ =	shalt  }
0x3e: {  	_ =	shalt  }
0x3f: {  	_ =	shalt  }
0x40: {  	_ =	shalt  }
0x41: {  	_ =	shalt  }
0x42: {  	_ =	shalt  }
0x43: {  	_ =	shalt  }
0x44: {  	_ =	shalt  }
0x45: {  	_ =	shalt  }
0x46: {  	_ =	shalt  }
0x47: {  	_ =	shalt  }
0x48: {  	_ =	shalt  }
0x49: {  	_ =	shalt  }
0x4a: {  	_ =	shalt  }
0x4b: {  	_ =	shalt  }
0x4c: {  	_ =	shalt  }
0x4d: {  	_ =	shalt  }
0x4e: {  	_ =	shalt  }
0x4f: {  	_ =	shalt  }
0x50: {  	_ =	shalt  }
0x51: {  	_ =	shalt  }
0x52: {  	_ =	shalt  }
0x53: {  	_ =	shalt  }
0x54: {  	_ =	shalt  }
0x55: {  	_ =	shalt  }
0x56: {  	_ =	shalt  }
0x57: {  	_ =	shalt  }
0x58: {  	_ =	shalt  }
0x59: {  	_ =	shalt  }
0x5a: {  	_ =	shalt  }
0x5b: {  	_ =	shalt  }
0x5c: {  	_ =	shalt  }
0x5d: {  	_ =	shalt  }
0x5e: {  	_ =	shalt  }
0x5f: {  	_ =	shalt  }
0x60: {  	_ =	shalt  }
0x61: {  	_ =	shalt  }
0x62: {  	_ =	shalt  }
0x63: {  	_ =	shalt  }
0x64: {  	_ =	shalt  }
0x65: {  	_ =	shalt  }
0x66: {  	_ =	shalt  }
0x67: {  	_ =	shalt  }
0x68: {  	_ =	shalt  }
0x69: {  	_ =	shalt  }
0x6a: {  	_ =	shalt  }
0x6b: {  	_ =	shalt  }
0x6c: {  	_ =	shalt  }
0x6d: {  	_ =	shalt  }
0x6e: {  	_ =	shalt  }
0x6f: {  	_ =	shalt  }
0x70: {  	_ =	shalt  }
0x71: {  	_ =	shalt  }
0x72: {  	_ =	shalt  }
0x73: {  	_ =	shalt  }
0x74: {  	_ =	shalt  }
0x75: {  	_ =	shalt  }
0x76: {  	_ =	shalt  }
0x77: {  	_ =	shalt  }
0x78: {  	_ =	shalt  }
0x79: {  	_ =	shalt  }
0x7a: {  	_ =	shalt  }
0x7b: {  	_ =	shalt  }
0x7c: {  	_ =	shalt  }
0x7d: {  	_ =	shalt  }
0x7e: {  	_ =	shalt  }
0x7f: {  	_ =	shalt  }
0x80: {  	_ =	shalt  }
0x81: {  	_ =	shalt  }
0x82: {  	_ =	shalt  }
0x83: {  	_ =	shalt  }
0x84: {  	_ =	shalt  }
0x85: {  	_ =	shalt  }
0x86: {  	_ =	shalt  }
0x87: {  	_ =	shalt  }
.Lfunc_end0:
.L_simem_size_0:
called_computation_lowered:
.L_overlay_start_0:
0x88: {  	s2 =	sld [smem:$0x3FD9]  }
0x89: {  	s3 =	sld [smem:$0x3FFE];
	_ =	sdelay $0x1  }
0x8a: {  	s1 =	srdreg.scid  }
0x8b: {  	s0 =	sand.u32 $0x1, s1  }
0x8c: {  	s18 =	sshll.u32 s0, $0xA;
	s2 =	sadd.s32 s3, s2  }
0x8d: {  	s2 =	sadd.s32 s2, s18  }
0x8e: {  	[smem:$0x3FC6] =	sst s2  }
0x8f: {  	_ = 	snop  }
0x90: {  	s2 =	sld [smem:$0x3FC9]  }
0x91: {  	s19 =	sld [smem:$0x3FC8]  }
0x92: {  	s4 =	sld [smem:$0x3FD0];
	(tm) =	ssettm $0x1  }
0x93: {  	s5 =	sld [smem:$0x3FFB];
	_ =	sdelay $0x3  }
0x94: {  	_ =	strace s5  }
0x95: {  	s5 =	sld [smem:$0x3FFC];
	_ =	sdelay $0x3  }
0x96: {  	_ =	strace s5  }
0x97: {  	s5 =	sld [smem:$0x3FFD];
	_ =	sdelay $0x3  }
0x98: {  	_ =	strace s5  }
0x99: {  	_ =	strace $0x8FFFFFFF  }
0x9a: {  	s20 =	sld [smem:$0x3FDB];
	_ =	sdelay $0x1  }
0x9b: {  	s6 =	simm.s32 $_scs_section_size  }
0x9c: {  	s7 =	simm.s32 $_size__tile_overlayer_lowered;
	s8 =	simm.s32 $_tile_overlayer_lowered  }
0x9d: {  	s23 =	simm.s32 $0x1BFF;
	s22 =	sshll.u32 s8, $0x1;
	s5 =	sadd.s32 s6, s20  }
0x9e: {  	s9 =	simm.s32 $0x0;
	s21 =	sshll.u32 s7, $0x1;
	s7 =	sadd.s32 s22, s5  }
0x9f: {  	[timem:s9], [sflag:s23] =	dma.local [hbm:s7], s21  }
0xa0: {  	_ =	swait.ge [sflag:s23], s21  }
0xa1: {  	s6 =	ssub.s32 $0x0, s21;
	[sflag:s23] =	ssyncset.done $0x0  }
0xa2: {  	[sflag:s23] =	ssyncadd.s32 s6;
	_ =	sdelay $0x1  }
0xa3: {  	s24 =	simm.s32 $0x1B8B  }
0xa4: {  	_ =	swait.ge [sflag:s24], $0x1  }
0xa5: {  	[sflag:s24] =	ssyncset.done $0x0  }
0xa6: {  	s25 =	simm.s32 $0x1B8E;
	[sflag:s24] =	ssyncadd.s32 $0xFFFFFFFF  }
0xa7: {  	s26 =	simm.s32 $execute0_lowered;
	[smem:$0x3FD2] =	sst s25  }
0xa8: {  	s6 =	sshll.u32 s26, $0x1;
	_ =	strace $0x80000046;
	[dreg:$0x1] =	wrdreg $0xFFFFFFFF  }
0xa9: {  	s28 =	simm.s32 $_size_execute0_lowered;
	s5 =	sadd.s32 s5, s6;
	[dreg:$0x0] =	wrdreg $0x0  }
0xaa: {  	s6 =	sshll.u32 s28, $0x1;
	[dreg:$0x2] =	wrdreg s5  }
0xab: {  	[dreg:$0x3] =	wrdreg s6  }
0xac: {  	[dreg:$0x4] =	wrdreg $0xC0  }
0xad: {  	_ =	task [dreg:s9], $0x5FFFF  }
0xae: {  	[dreg:$0x1] =	wrdreg $0xFFFFFFFF  }
0xaf: {  	[dreg:$0x0] =	wrdreg $0x60  }
0xb0: {  	[dreg:$0x2] =	wrdreg s2  }
0xb1: {  	[dreg:$0x3] =	wrdreg s19  }
0xb2: {  	[dreg:$0x4] =	wrdreg s4  }
0xb3: {  	[dreg:$0x5] =	wrdreg $0x9  }
0xb4: {  	_ =	task.clear_ibuf [dreg:s9], $0x6FFFF;
	_ =	strace $0x90000046  }
0xb5: {  	s29 =	simm.s32 $0x9;
	_ =	strace $0x80000048  }
0xb6: {  	_ =	swait.ge [sflag:s29], $0x1  }
0xb7: {  	[sflag:s29] =	ssyncadd.s32 $0xFFFFFFFF  }
0xb8: {  	_ =	strace $0x90000048  }
0xb9: {  	_ =	sfence  }
0xba: {  	s30 =	sld [smem:$0x0];
	_ =	sdelay $0x2  }
0xbb: {  	s31 =	sshll.u32 s1, $0xD;
	s1 =	sshrl.u32 s1, $0x2  }
0xbc: {  	s3 =	sand.u32 $0x4000, s31;
	s1 =	sadd.s32 s1, s30  }
0xbd: {  	s0 =	sor.u32 s3, s0;
	s1 =	sshll.u32 s1, $0x11  }
0xbe: {  	s0 =	sor.u32 s1, s0  }
0xbf: {  	s0 =	sadd.s32 $0x8F2B, s0  }
0xc0: {  	[sflag:s0] =	ssyncadd.remote.s32 $0x1  }
0xc1: {  	_ =	sfence.sel $0xFFFF  }
0xc2: {  	[dreg:$0x0] =	wrdreg $0xFFFFFFFF;
	(pc) =	sbr.abs _section_cstart, $3  }
0xc3: {  	[dreg:$0x1] =	wrdreg $0xFFFFFFFF  }
0xc4: {  	_ =	task.clear_ibuf [dreg:s9], $0x2FFFF;
	_ =	strace $0x9FFFFFFF  }
0xc5: {  	(tm) =	ssettm $0x7FFFFFFF  }
tec
execute0_lowered:
.L_overlay_start_1:
0x0: {  	(tag) =	ssettag $0x1  }
0x1: {  	s1 =	rddreg [dreg:$0x0]  }
0x2: {  	s3 =	rddreg [dreg:$0x1]  }
0x3: {  	s4 =	rddreg [dreg:$0x2]  }
0x4: {  	s5 =	srdreg.scid;
	s0 =	rddreg [dreg:$0x3]  }
0x5: {  	s2 =	stileid.u32;
	s13 =	simm.s32 $0x5;
	s14 =	simm.s32 $0x80  }
0x6: {  	s15 =	simm.s32 $0x8080;
	s16 =	simm.s32 $0x1;
	s17 =	simm.s32 $0x10080  }
0x7: {  	s18 =	simm.s32 $0x2;
	s19 =	simm.s32 $0x4;
	s20 =	simm.s32 $0x12080  }
0x8: {  	s21 =	simm.s32 $0x3;
	s22 =	simm.s32 $0x0;
	s6 =	sand.u32 $0x1, s5  }
0x9: {  	s5 =	simm.s32 $0x0;
	s7 =	sshll.u32 s2, $0xA;
	s8 =	sshll.u32 s6, $0x9  }
.Ltmp0:
0xa: {  	[smem:$0x7FF] =	sst s5;
	s9 =	ssub.s32 $0x2, s6;
	(pc) =	sbr.rel .LBB2_1-.Ltmp0, $4  }
0xb: {  	s6 =	sor.u32 s8, s7;
	_ =	strace $0x80000047;
	s30 =	sshrl.u32 s9, $0x1  }
0xc: {  	s8 =	sshll.u32 s6, $0x6;
	s12 =	ssub.s32 s9, s30;
	s31 =	sshll.u32 s6, $0x4  }
0xd: {  	s10 =	sor.u32 $0x80, s6;
	s11 =	sor.u32 $0xC0, s6;
	s7 =	sadd.s32 s1, s8  }
0xe: {  	s9 =	sadd.s32 s4, s31;
	s12 =	smax.u32 s12, $0x1;
	s8 =	sadd.s32 $0x1000, s7  }
.LBB2_12:
0xf: {  	s22 =	sadd.s32 $0x1, s22  }
0x10: {  	_ =	swait.ge [sflag:s21], $0x2000;
	p0 =	sne.s32 s22, s12  }
.Ltmp1:
0x11: {  	[sflag:s21] =	ssyncset.done $0x0;
	(pc) =	sbr.rel @!p0 .LBB2_13-.Ltmp1, $4  }
0x12: {  	[sflag:s21] =	ssyncadd.s32 $0xFFFFE000  }
0x13: {  	_ =	swait.ge [sflag:s19], $0x2000  }
0x14: {  	[sflag:s19] =	ssyncset.done $0x0  }
0x15: {  	[sflag:s19] =	ssyncadd.s32 $0xFFFFE000  }
.LBB2_1:
0x16: {  	[tilespmem:s5], [sflag:$0x5] =	stream.linear.gather [hbm4b:s3+s5], $0x80, $0x38;
	[tilespmem:$0x14080] =	vst v63  }
0x17: {  	_ =	swait.ge [sflag:s13], $0x80  }
0x18: {  	[sflag:s13] =	ssyncset.done $0x0  }
0x19: {  	[sflag:s13] =	ssyncadd.s32 $0xFFFFFF80  }
0x1a: {  	v1 =	vld [tilespmem:$0x0]  }
0x1b: {  	v2 =	vld [tilespmem:$0x10]  }
0x1c: {  	v5 =	vld [tilespmem:$0x20]  }
0x1d: {  	v6 =	vld [tilespmem:$0x30]  }
0x1e: {  	v9 =	vld [tilespmem:$0x40]  }
0x1f: {  	v10 =	vld [tilespmem:$0x50]  }
0x20: {  	v13 =	vld [tilespmem:$0x60]  }
0x21: {  	v14 =	vld [tilespmem:$0x70]  }
0x22: {  	v0 =	vand.u32 $0x7F, v1;
	v1 =	vshll.u32 v1, $0x3;
	v3 =	vshll.u32 v2, $0x3  }
0x23: {  	v2 =	vand.u32 $0x7F, v2;
	v4 =	vand.u32 $0x7F, v5;
	v5 =	vshll.u32 v5, $0x3  }
0x24: {  	v7 =	vshll.u32 v6, $0x3;
	v6 =	vand.u32 $0x7F, v6;
	v8 =	vand.u32 $0x7F, v9  }
0x25: {  	v9 =	vshll.u32 v9, $0x3;
	v11 =	vshll.u32 v10, $0x3;
	v10 =	vand.u32 $0x7F, v10  }
0x26: {  	v12 =	vand.u32 $0x7F, v13;
	v13 =	vshll.u32 v13, $0x3;
	v15 =	vshll.u32 v14, $0x3  }
0x27: {  	[tilespmem:s14], [sflag:$0x1] =	stream.linear.gather [hbm4b:s7+s5], $0x8000, $0x38;
	v14 =	vand.u32 $0x7F, v14;
	v1 =	vand.u32 $0xFFFFFC00, v1;
	v3 =	vand.u32 $0xFFFFFC00, v3;
	[tilespmem:$0x14080] =	vst v63  }
0x28: {  	s23 =	simm.s32 $0x0;
	v5 =	vand.u32 $0xFFFFFC00, v5;
	v7 =	vand.u32 $0xFFFFFC00, v7;
	v9 =	vand.u32 $0xFFFFFC00, v9  }
0x29: {  	[tilespmem:s15], [sflag:$0x2] =	stream.linear.gather [hbm4b:s8+s5], $0x8000, $0x38;
	v11 =	vand.u32 $0xFFFFFC00, v11;
	v13 =	vand.u32 $0xFFFFFC00, v13;
	v15 =	vand.u32 $0xFFFFFC00, v15;
	[tilespmem:$0x14080] =	vst v63  }
.LBB2_2:
0x2a: {  	s24 =	simm.s32 $0x0;
	s30 =	simm.s32 $0x1  }
0x2b: {  	s25 =	simm.s32 $0x2;
	s31 =	simm.s32 $0x3;
	v16 =	vmov s24;
	v18 =	vmov s30  }
0x2c: {  	v19 =	vmov s25;
	v20 =	vmov s31;
	v17 =	vshll.u32 v16, $0x7  }
0x2d: {  	v16 =	vshll.u32 v16, $0x9;
	v22 =	vshll.u32 v19, $0x7;
	v23 =	vshll.u32 v19, $0x9  }
0x2e: {  	v21 =	vshll.u32 v20, $0x9;
	v24 =	vand.u32 $0x7000, v16;
	v16 =	vand.u32 $0x200, v17  }
0x2f: {  	v17 =	vshll.u32 v18, $0x7;
	v18 =	vshll.u32 v18, $0x9;
	v21 =	vand.u32 $0x7000, v21  }
0x30: {  	v17 =	vand.u32 $0x280, v17;
	v19 =	vand.u32 $0x7000, v18;
	v18 =	vshll.u32 v20, $0x7  }
0x31: {  	v26 =	vadd.s32 v1, v21;
	v27 =	vadd.s32 v1, v24;
	v25 =	vadd.s32 v1, v19  }
0x32: {  	_ =	swait.ge [sflag:s16], $0x8000;
	v20 =	vand.u32 $0x380, v18;
	v18 =	vand.u32 $0x300, v22;
	v27 =	vor.u32 v16, v27  }
0x33: {  	p0 =	seq.s32 s23, $0x0;
	[sflag:s16] =	ssyncset.done $0x0;
	v22 =	vand.u32 $0x7000, v23;
	v23 =	vor.u32 v20, v26;
	v27 =	vor.u32 v0, v27  }
0x34: {  	s24 =	simm.s32 @!p0 $0x3;
	[sflag:s16] =	ssyncadd.s32 $0xFFFF8000;
	v26 =	vadd.s32 v1, v22;
	v25 =	vor.u32 v17, v25;
	v23 =	vor.u32 v0, v23  }
0x35: {  	_ =	swait.ge @!p0 [sflag:s24], $0x2000;
	v26 =	vor.u32 v18, v26;
	v25 =	vor.u32 v0, v25  }
0x36: {  	[sflag:s24] =	ssyncset.done @!p0 $0x0;
	v26 =	vor.u32 v0, v26  }
0x37: {  	[sflag:s24] =	ssyncadd.s32 @!p0 $0xFFFFE000  }
0x38: {  	v28 =	vadd.s32 v3, v21;
	v27 =	vld.idx.msk [tilespmem:v27+s14+$0x0], $0xffff  }
0x39: {  	v28 =	vor.u32 v20, v28;
	v23 =	vld.idx.msk [tilespmem:v23+s14+$0x0], $0xffff  }
0x3a: {  	v29 =	vadd.s32 v3, v19;
	v28 =	vor.u32 v2, v28;
	v25 =	vld.idx.msk [tilespmem:v25+s14+$0x0], $0xffff  }
0x3b: {  	v31 =	vadd.s32 v3, v24;
	v29 =	vor.u32 v17, v29;
	v30 =	vadd.s32 v3, v22;
	v26 =	vld.idx.msk [tilespmem:v26+s14+$0x0], $0xffff  }
0x3c: {  	s26 =	simm.s32 $0x10180;
	v52 =	vadd.s32 v7, v24;
	v29 =	vor.u32 v2, v29;
	v30 =	vor.u32 v18, v30  }
0x3d: {  	v35 =	vadd.s32 v7, v21;
	v31 =	vor.u32 v16, v31;
	v30 =	vor.u32 v2, v30;
	[tilespmem:s26+$0xFFFFFF00] =	vst v27  }
0x3e: {  	v37 =	vadd.s32 v9, v24;
	v38 =	vadd.s32 v11, v24;
	v31 =	vor.u32 v2, v31;
	[tilespmem:s26+$0x80] =	vst v23  }
0x3f: {  	v40 =	vadd.s32 v9, v21;
	[tilespmem:s26+$0xFFFFFF80] =	vst v25;
	v25 =	vld.idx.msk [tilespmem:v28+s14+$0x0], $0xffff;
	v28 =	vadd.s32 v5, v21  }
0x40: {  	v32 =	vadd.s32 v5, v19;
	v34 =	vadd.s32 v7, v19;
	[tilespmem:s26+$0x0] =	vst v26;
	v26 =	vor.u32 v20, v28  }
0x41: {  	v27 =	vor.u32 v17, v32;
	v29 =	vld.idx.msk [tilespmem:v29+s14+$0x0], $0xffff;
	v28 =	vadd.s32 v5, v22;
	v26 =	vor.u32 v4, v26  }
0x42: {  	v23 =	vadd.s32 v5, v24;
	v27 =	vor.u32 v4, v27;
	v30 =	vld.idx.msk [tilespmem:v30+s14+$0x0], $0xffff;
	v28 =	vor.u32 v18, v28  }
0x43: {  	v39 =	vadd.s32 v9, v19;
	v31 =	vld.idx.msk [tilespmem:v31+s14+$0x0], $0xffff;
	v23 =	vor.u32 v16, v23;
	v28 =	vor.u32 v4, v28  }
0x44: {  	v59 =	vor.u32 v16, v37;
	v46 =	vor.u32 v16, v38;
	v23 =	vor.u32 v4, v23  }
0x45: {  	v61 =	vadd.s32 v11, v19;
	v36 =	vadd.s32 v7, v22;
	v35 =	vor.u32 v20, v35;
	[tilespmem:s26+$0x90] =	vst v25  }
0x46: {  	s25 =	simm.s32 $0x4;
	v53 =	vor.u32 v17, v34;
	v40 =	vor.u32 v20, v40;
	[tilespmem:s26+$0xFFFFFF90] =	vst v29;
	v29 =	vld.idx.msk [tilespmem:v26+s14+$0x0], $0xffff  }
0x47: {  	v33 =	vmov s25;
	v54 =	vor.u32 v6, v35;
	v55 =	vor.u32 v18, v36;
	v27 =	vld.idx.msk [tilespmem:v27+s14+$0x0], $0xffff;
	[tilespmem:s26+$0x10] =	vst v30  }
0x48: {  	[tilespmem:s26+$0xFFFFFF10] =	vst v31;
	v25 =	vshll.u32 v33, $0x7;
	v26 =	vshll.u32 v33, $0x9;
	v33 =	vor.u32 v6, v53;
	v28 =	vld.idx.msk [tilespmem:v28+s14+$0x0], $0xffff  }
0x49: {  	s31 =	simm.s32 $0x6;
	v45 =	vor.u32 v8, v59;
	v35 =	vor.u32 v6, v55;
	v32 =	vor.u32 v16, v52;
	v56 =	vld.idx.msk [tilespmem:v23+s14+$0x0], $0xffff  }
0x4a: {  	s30 =	simm.s32 $0x5;
	v47 =	vadd.s32 v11, v22;
	v32 =	vor.u32 v6, v32;
	v31 =	vmov s31  }
0x4b: {  	v57 =	vor.u32 v8, v40;
	v41 =	vshll.u32 v31, $0x7;
	v30 =	vmov s30;
	[tilespmem:s26+$0xA0] =	vst v29  }
0x4c: {  	v23 =	vand.u32 $0x200, v25;
	v25 =	vadd.s32 v15, v24;
	[tilespmem:s26+$0xFFFFFFA0] =	vst v27;
	v27 =	vadd.s32 v9, v22;
	v34 =	vld.idx.msk [tilespmem:v54+s14+$0x0], $0xffff  }
0x4d: {  	v29 =	vshll.u32 v30, $0x7;
	v42 =	vld.idx.msk [tilespmem:v33+s14+$0x0], $0xffff;
	[tilespmem:s26+$0x20] =	vst v28;
	v28 =	vshll.u32 v30, $0x9;
	v30 =	vor.u32 v17, v39  }
0x4e: {  	v31 =	vshll.u32 v31, $0x9;
	[tilespmem:s26+$0xFFFFFF20] =	vst v56;
	v27 =	vor.u32 v18, v27;
	v58 =	vld.idx.msk [tilespmem:v35+s14+$0x0], $0xffff;
	v43 =	vor.u32 v8, v30  }
0x4f: {  	v26 =	vand.u32 $0x7000, v26;
	v32 =	vld.idx.msk [tilespmem:v32+s14+$0x0], $0xffff;
	v33 =	vadd.s32 v13, v19;
	v60 =	vor.u32 v8, v27  }
0x50: {  	v27 =	vand.u32 $0x280, v29;
	v29 =	vadd.s32 v11, v21;
	v39 =	vor.u32 v10, v46  }
0x51: {  	v30 =	vadd.s32 v1, v26;
	v63 =	vor.u32 v20, v29;
	v29 =	vand.u32 $0x7000, v31;
	[tilespmem:s26+$0xB0] =	vst v34  }
0x52: {  	v31 =	vor.u32 v17, v61;
	v62 =	vor.u32 v23, v30;
	v30 =	vand.u32 $0x7000, v28;
	[tilespmem:s26+$0xFFFFFFB0] =	vst v42;
	v35 =	vld.idx.msk [tilespmem:v57+s14+$0x0], $0xffff  }
0x53: {  	v28 =	vand.u32 $0x300, v41;
	v41 =	vor.u32 v10, v63;
	v44 =	vadd.s32 v1, v29;
	[tilespmem:s26+$0x30] =	vst v58;
	v36 =	vld.idx.msk [tilespmem:v43+s14+$0x0], $0xffff  }
0x54: {  	s29 =	simm.s32 $0x7;
	[tilespmem:s26+$0xFFFFFF30] =	vst v32;
	v42 =	vor.u32 v10, v31;
	v31 =	vor.u32 v18, v47;
	v37 =	vld.idx.msk [tilespmem:v60+s14+$0x0], $0xffff  }
0x55: {  	s28 =	simm.s32 $0x8;
	s25 =	simm.s32 $0x10180;
	s24 =	sshll.u32 s23, $0x7;
	v40 =	vadd.s32 v1, v30;
	v38 =	vld.idx.msk [tilespmem:v45+s14+$0x0], $0xffff;
	v34 =	vor.u32 v0, v62;
	v43 =	vor.u32 v10, v31  }
.LBB2_3:
0x56: {  	p1 =	slt.u32 s28, $0x3C;
	v31 =	vor.u32 v27, v40;
	v32 =	vor.u32 v28, v44;
	v40 =	vmov s29  }
0x57: {  	v31 =	vor.u32 v0, v31;
	v32 =	vor.u32 v0, v32;
	v44 =	vshll.u32 v40, $0x9;
	[tilespmem:s26+$0xC0] =	vst v35  }
0x58: {  	v40 =	vshll.u32 v40, $0x7;
	v35 =	vand.u32 $0x7000, v44;
	[tilespmem:s26+$0xFFFFFFC0] =	vst v36;
	v36 =	vld.idx.msk [tilespmem:v41+s14+$0x0], $0xffff;
	v41 =	vadd.s32 v13, v21  }
0x59: {  	v40 =	vand.u32 $0x380, v40;
	v44 =	vadd.s32 v1, v35;
	v42 =	vld.idx.msk [tilespmem:v42+s14+$0x0], $0xffff;
	[tilespmem:s26+$0x40] =	vst v37;
	v37 =	vor.u32 v20, v41  }
0x5a: {  	v41 =	vor.u32 v40, v44;
	[tilespmem:s26+$0xFFFFFF40] =	vst v38;
	v38 =	vld.idx.msk [tilespmem:v43+s14+$0x0], $0xffff;
	v37 =	vor.u32 v12, v37  }
0x5b: {  	v33 =	vor.u32 v17, v33;
	v43 =	vadd.s32 v13, v22;
	v41 =	vor.u32 v0, v41;
	v39 =	vld.idx.msk [tilespmem:v39+s14+$0x0], $0xffff  }
0x5c: {  	v48 =	vadd.s32 v13, v24;
	v33 =	vor.u32 v12, v33;
	v43 =	vor.u32 v18, v43;
	v34 =	vld.idx.msk [tilespmem:v34+s14+$0x0], $0xffff  }
0x5d: {  	v47 =	vor.u32 v16, v48;
	v44 =	vadd.s32 v5, v26;
	v43 =	vor.u32 v12, v43;
	v31 =	vld.idx.msk [tilespmem:v31+s14+$0x0], $0xffff  }
0x5e: {  	v45 =	vadd.s32 v3, v26;
	v24 =	vmov v26;
	v46 =	vor.u32 v12, v47;
	v32 =	vld.idx.msk [tilespmem:v32+s14+$0x0], $0xffff;
	[tilespmem:s26+$0xD0] =	vst v36  }
0x5f: {  	v26 =	vadd.s32 v3, v30;
	[tilespmem:s26+$0xFFFFFFD0] =	vst v42;
	v36 =	vld.idx.msk [tilespmem:v37+s14+$0x0], $0xffff;
	v37 =	vadd.s32 v15, v21;
	v21 =	vmov v35  }
0x60: {  	v35 =	vld.idx.msk [tilespmem:v41+s14+$0x0], $0xffff;
	v41 =	vadd.s32 v3, v21;
	[tilespmem:s26+$0x50] =	vst v38;
	v37 =	vor.u32 v20, v37;
	v20 =	vmov v40  }
0x61: {  	v38 =	vor.u32 v20, v41;
	[tilespmem:s26+$0xFFFFFF50] =	vst v39;
	v33 =	vld.idx.msk [tilespmem:v33+s14+$0x0], $0xffff;
	v37 =	vor.u32 v14, v37  }
0x62: {  	v26 =	vor.u32 v27, v26;
	v39 =	vadd.s32 v3, v29;
	v38 =	vor.u32 v2, v38;
	v40 =	vld.idx.msk [tilespmem:v43+s14+$0x0], $0xffff  }
0x63: {  	v26 =	vor.u32 v2, v26;
	v42 =	vadd.s32 v15, v19;
	v39 =	vor.u32 v28, v39;
	v41 =	vld.idx.msk [tilespmem:v46+s14+$0x0], $0xffff  }
0x64: {  	v22 =	vadd.s32 v15, v22;
	v19 =	vmovc v30;
	v43 =	vor.u32 v23, v45;
	v39 =	vor.u32 v2, v39  }
0x65: {  	v42 =	vor.u32 v17, v42;
	s26 =	sadd.s32 $0x200, s26;
	v30 =	vor.u32 v2, v43;
	v43 =	vadd.s32 v5, v19;
	[tilespmem:s25+$0xE0] =	vst v36  }
0x66: {  	v17 =	vmov v27;
	[tilespmem:s26+$0x80] =	vst v35;
	v35 =	vor.u32 v14, v42;
	v42 =	vor.u32 v18, v22;
	v36 =	vld.idx.msk [tilespmem:v37+s14+$0x0], $0xffff  }
0x67: {  	v37 =	vadd.s32 v5, v21;
	v18 =	vmov v28;
	[tilespmem:s26+$0xFFFFFF80] =	vst v31;
	v27 =	vld.idx.msk [tilespmem:v38+s14+$0x0], $0xffff;
	v31 =	vor.u32 v14, v42  }
0x68: {  	v28 =	vadd.s32 v5, v29;
	v22 =	vmov v29;
	v26 =	vld.idx.msk [tilespmem:v26+s14+$0x0], $0xffff;
	[tilespmem:s26+$0x0] =	vst v32;
	v32 =	vor.u32 v20, v37  }
0x69: {  	v29 =	vor.u32 v17, v43;
	[tilespmem:s26+$0xFFFFFF00] =	vst v34;
	v34 =	vld.idx.msk [tilespmem:v39+s14+$0x0], $0xffff;
	v32 =	vor.u32 v4, v32  }
0x6a: {  	v29 =	vor.u32 v4, v29;
	v28 =	vor.u32 v18, v28;
	v30 =	vld.idx.msk [tilespmem:v30+s14+$0x0], $0xffff;
	[tilespmem:s25+$0xFFFFFFE0] =	vst v33  }
0x6b: {  	v28 =	vor.u32 v4, v28;
	v33 =	vor.u32 v23, v44;
	v35 =	vld.idx.msk [tilespmem:v35+s14+$0x0], $0xffff;
	[tilespmem:s25+$0x60] =	vst v40  }
0x6c: {  	v25 =	vor.u32 v16, v25;
	v16 =	vmov v23;
	v33 =	vor.u32 v4, v33;
	v31 =	vld.idx.msk [tilespmem:v31+s14+$0x0], $0xffff;
	[tilespmem:s25+$0xF0] =	vst v36  }
0x6d: {  	v25 =	vor.u32 v14, v25;
	v23 =	vadd.s32 v7, v24;
	[tilespmem:s26+$0x90] =	vst v27  }
0x6e: {  	v36 =	vadd.s32 v7, v21;
	v27 =	vmov s28;
	[tilespmem:s26+$0xFFFFFF90] =	vst v26;
	v26 =	vadd.s32 v7, v19;
	v32 =	vld.idx.msk [tilespmem:v32+s14+$0x0], $0xffff  }
0x6f: {  	v36 =	vor.u32 v20, v36;
	v37 =	vshll.u32 v27, $0x7;
	v29 =	vld.idx.msk [tilespmem:v29+s14+$0x0], $0xffff;
	[tilespmem:s26+$0x10] =	vst v34;
	v34 =	vadd.s32 v7, v22  }
0x70: {  	s29 =	sadd.s32 $0x1, s28;
	v27 =	vshll.u32 v27, $0x9;
	v26 =	vor.u32 v17, v26;
	[tilespmem:s26+$0xFFFFFF10] =	vst v30;
	v28 =	vld.idx.msk [tilespmem:v28+s14+$0x0], $0xffff;
	v30 =	vor.u32 v6, v36  }
0x71: {  	v36 =	vmov s29;
	s29 =	sadd.s32 $0x2, s28;
	v38 =	vor.u32 v6, v26;
	v26 =	vor.u32 v18, v34;
	v33 =	vld.idx.msk [tilespmem:v33+s14+$0x0], $0xffff;
	[tilespmem:s25+$0xFFFFFF60] =	vst v41  }
0x72: {  	v39 =	vor.u32 v16, v23;
	v34 =	vmov s29;
	v40 =	vor.u32 v6, v26;
	v41 =	vld.idx.msk [tilespmem:v25+s14+$0x0], $0xffff;
	[tilespmem:s25+$0xFFFFFFF0] =	vst v35  }
0x73: {  	v23 =	vand.u32 $0x200, v37;
	v26 =	vand.u32 $0x7000, v27;
	v27 =	vor.u32 v6, v39;
	[tilespmem:s25+$0x70] =	vst v31  }
0x74: {  	v35 =	vadd.s32 v11, v24;
	v25 =	vadd.s32 v15, v24;
	v31 =	vadd.s32 v9, v24;
	[tilespmem:s26+$0xA0] =	vst v32  }
0x75: {  	v37 =	vadd.s32 v9, v21;
	v32 =	vshll.u32 v36, $0x7;
	[tilespmem:s26+$0xFFFFFFA0] =	vst v29;
	v29 =	vadd.s32 v9, v19;
	v30 =	vld.idx.msk [tilespmem:v30+s14+$0x0], $0xffff  }
0x76: {  	v37 =	vor.u32 v20, v37;
	v39 =	vshll.u32 v34, $0x7;
	v38 =	vld.idx.msk [tilespmem:v38+s14+$0x0], $0xffff;
	[tilespmem:s26+$0x20] =	vst v28;
	v28 =	vadd.s32 v9, v22  }
0x77: {  	v37 =	vor.u32 v8, v37;
	v36 =	vshll.u32 v36, $0x9;
	v29 =	vor.u32 v17, v29;
	[tilespmem:s26+$0xFFFFFF20] =	vst v33;
	v42 =	vld.idx.msk [tilespmem:v40+s14+$0x0], $0xffff  }
0x78: {  	v34 =	vshll.u32 v34, $0x9;
	v29 =	vor.u32 v8, v29;
	v43 =	vld.idx.msk [tilespmem:v27+s14+$0x0], $0xffff;
	v27 =	vor.u32 v18, v28;
	[tilespmem:s25+$0xFFFFFF70] =	vst v41;
	s25 =	smov.u32 s26  }
0x79: {  	v31 =	vor.u32 v16, v31;
	v28 =	vadd.s32 v1, v26;
	v41 =	vor.u32 v8, v27  }
0x7a: {  	v31 =	vor.u32 v8, v31;
	v33 =	vadd.s32 v13, v19;
	v27 =	vand.u32 $0x280, v32  }
0x7b: {  	v45 =	vadd.s32 v11, v22;
	v44 =	vadd.s32 v11, v19;
	v32 =	vor.u32 v16, v35;
	[tilespmem:s26+$0xB0] =	vst v30  }
.Ltmp2:
0x7c: {  	v46 =	vor.u32 v23, v28;
	v30 =	vand.u32 $0x7000, v36;
	[tilespmem:s26+$0xFFFFFFB0] =	vst v38;
	v35 =	vld.idx.msk [tilespmem:v37+s14+$0x0], $0xffff;
	v37 =	vadd.s32 v11, v21;
	(pc) =	sbr.rel @p1 .LBB2_3-.Ltmp2, $4  }
0x7d: {  	v28 =	vand.u32 $0x300, v39;
	v40 =	vadd.s32 v1, v30;
	v36 =	vld.idx.msk [tilespmem:v29+s14+$0x0], $0xffff;
	[tilespmem:s26+$0x30] =	vst v42;
	v38 =	vor.u32 v20, v37  }
0x7e: {  	v29 =	vand.u32 $0x7000, v34;
	v34 =	vor.u32 v17, v44;
	[tilespmem:s26+$0xFFFFFF30] =	vst v43;
	v37 =	vld.idx.msk [tilespmem:v41+s14+$0x0], $0xffff;
	v41 =	vor.u32 v10, v38  }
0x7f: {  	v44 =	vadd.s32 v1, v29;
	v42 =	vor.u32 v10, v34;
	v38 =	vld.idx.msk [tilespmem:v31+s14+$0x0], $0xffff;
	v31 =	vor.u32 v18, v45  }
0x80: {  	s29 =	sadd.s32 $0x3, s28;
	s28 =	sadd.s32 $0x4, s28;
	v39 =	vor.u32 v10, v32;
	v34 =	vor.u32 v0, v46;
	v43 =	vor.u32 v10, v31  }
0x81: {  	v32 =	vmov s29  }
0x82: {  	v40 =	vor.u32 v27, v40;
	v44 =	vor.u32 v28, v44;
	v48 =	vadd.s32 v13, v21  }
0x83: {  	v33 =	vor.u32 v17, v33;
	v51 =	vadd.s32 v3, v30;
	v52 =	vadd.s32 v13, v22  }
0x84: {  	v53 =	vadd.s32 v3, v29;
	v24 =	vadd.s32 v13, v24;
	v54 =	vadd.s32 v3, v26  }
0x85: {  	v57 =	vadd.s32 v5, v30;
	v58 =	vadd.s32 v5, v26;
	v31 =	vshll.u32 v32, $0x9  }
0x86: {  	[tilespmem:s26+$0xC0] =	vst v35;
	v32 =	vshll.u32 v32, $0x7;
	v40 =	vor.u32 v0, v40;
	v31 =	vand.u32 $0x7000, v31  }
0x87: {  	[tilespmem:s26+$0xFFFFFFC0] =	vst v36;
	v63 =	vor.u32 v0, v44;
	v32 =	vand.u32 $0x380, v32;
	v45 =	vadd.s32 v1, v31  }
0x88: {  	v59 =	vadd.s32 v5, v29;
	v47 =	vadd.s32 v7, v26;
	v42 =	vld.idx.msk [tilespmem:v42+s14+$0x0], $0xffff;
	v45 =	vor.u32 v32, v45  }
0x89: {  	v34 =	vld.idx.msk [tilespmem:v34+s14+$0x0], $0xffff;
	v19 =	vadd.s32 v15, v19;
	v44 =	vor.u32 v27, v51;
	v61 =	vor.u32 v0, v45  }
0x8a: {  	v62 =	vld.idx.msk [tilespmem:v41+s14+$0x0], $0xffff;
	v36 =	vor.u32 v28, v53;
	v33 =	vor.u32 v12, v33;
	v55 =	vor.u32 v18, v52  }
0x8b: {  	v24 =	vor.u32 v16, v24;
	v52 =	vadd.s32 v9, v30;
	v17 =	vor.u32 v17, v19;
	v40 =	vld.idx.msk [tilespmem:v40+s14+$0x0], $0xffff  }
0x8c: {  	[tilespmem:s26+$0x40] =	vst v37;
	v44 =	vor.u32 v2, v44;
	v36 =	vor.u32 v2, v36;
	v41 =	vld.idx.msk [tilespmem:v63+s14+$0x0], $0xffff  }
0x8d: {  	v49 =	vld.idx.msk [tilespmem:v43+s14+$0x0], $0xffff;
	v50 =	vadd.s32 v3, v31;
	[tilespmem:s26+$0xFFFFFFD0] =	vst v42;
	v42 =	vor.u32 v23, v54  }
0x8e: {  	v16 =	vor.u32 v16, v25;
	v43 =	vor.u32 v32, v50;
	v42 =	vor.u32 v2, v42;
	v35 =	vld.idx.msk [tilespmem:v61+s14+$0x0], $0xffff  }
0x8f: {  	s28 =	sadd.s32 $0x200, s26;
	v37 =	vor.u32 v20, v48;
	v24 =	vor.u32 v12, v24;
	[tilespmem:s26+$0xFFFFFF40] =	vst v38;
	v43 =	vor.u32 v2, v43  }
0x90: {  	v48 =	vadd.s32 v15, v21;
	v21 =	vor.u32 v27, v52;
	v39 =	vld.idx.msk [tilespmem:v39+s14+$0x0], $0xffff;
	[tilespmem:s28+$0xFFFFFF80] =	vst v40  }
0x91: {  	v56 =	vadd.s32 v5, v31;
	v45 =	vor.u32 v27, v57;
	[tilespmem:s28+$0x0] =	vst v41;
	v44 =	vld.idx.msk [tilespmem:v44+s14+$0x0], $0xffff  }
0x92: {  	[tilespmem:s28+$0xFFFFFF00] =	vst v34;
	v34 =	vor.u32 v28, v59;
	v45 =	vor.u32 v4, v45;
	v36 =	vld.idx.msk [tilespmem:v36+s14+$0x0], $0xffff  }
0x93: {  	v34 =	vor.u32 v4, v34;
	v41 =	vor.u32 v23, v58;
	v42 =	vld.idx.msk [tilespmem:v42+s14+$0x0], $0xffff;
	[tilespmem:s28+$0x80] =	vst v35  }
0x94: {  	[tilespmem:s26+$0xD0] =	vst v62;
	v40 =	vor.u32 v32, v56;
	v41 =	vor.u32 v4, v41;
	v43 =	vld.idx.msk [tilespmem:v43+s14+$0x0], $0xffff  }
0x95: {  	v17 =	vor.u32 v14, v17;
	v16 =	vor.u32 v14, v16;
	[tilespmem:s26+$0xFFFFFF50] =	vst v39;
	v40 =	vor.u32 v4, v40  }
0x96: {  	v37 =	vor.u32 v12, v37;
	v60 =	vadd.s32 v7, v31;
	v61 =	vadd.s32 v7, v30;
	[tilespmem:s28+$0xFFFFFF90] =	vst v44  }
0x97: {  	v63 =	vadd.s32 v7, v29;
	v44 =	vor.u32 v27, v61;
	[tilespmem:s28+$0x10] =	vst v36;
	v62 =	vld.idx.msk [tilespmem:v45+s14+$0x0], $0xffff  }
0x98: {  	v36 =	vor.u32 v28, v63;
	v44 =	vor.u32 v6, v44;
	v34 =	vld.idx.msk [tilespmem:v34+s14+$0x0], $0xffff;
	[tilespmem:s28+$0xFFFFFF10] =	vst v42  }
0x99: {  	v39 =	vor.u32 v23, v47;
	v36 =	vor.u32 v6, v36;
	v41 =	vld.idx.msk [tilespmem:v41+s14+$0x0], $0xffff;
	[tilespmem:s28+$0x90] =	vst v43  }
0x9a: {  	v51 =	vor.u32 v20, v48;
	v39 =	vor.u32 v6, v39;
	v43 =	vor.u32 v32, v60;
	v40 =	vld.idx.msk [tilespmem:v40+s14+$0x0], $0xffff  }
0x9b: {  	v21 =	vor.u32 v8, v21;
	v48 =	vadd.s32 v13, v30;
	v43 =	vor.u32 v6, v43  }
0x9c: {  	v50 =	vadd.s32 v9, v31;
	v20 =	vor.u32 v14, v51;
	v37 =	vld.idx.msk [tilespmem:v37+s14+$0x0], $0xffff;
	[tilespmem:s28+$0xFFFFFFA0] =	vst v62  }
0x9d: {  	v54 =	vadd.s32 v9, v29;
	v35 =	vor.u32 v12, v55;
	[tilespmem:s28+$0x20] =	vst v34;
	v53 =	vld.idx.msk [tilespmem:v44+s14+$0x0], $0xffff  }
0x9e: {  	v55 =	vadd.s32 v9, v26;
	v34 =	vor.u32 v28, v54;
	v36 =	vld.idx.msk [tilespmem:v36+s14+$0x0], $0xffff;
	[tilespmem:s28+$0xFFFFFF20] =	vst v41  }
0x9f: {  	v58 =	vor.u32 v23, v55;
	v34 =	vor.u32 v8, v34;
	v57 =	vld.idx.msk [tilespmem:v39+s14+$0x0], $0xffff;
	[tilespmem:s28+$0xA0] =	vst v40  }
0xa0: {  	[tilespmem:s26+$0x50] =	vst v49;
	v39 =	vor.u32 v8, v58;
	v40 =	vor.u32 v32, v50;
	v49 =	vld.idx.msk [tilespmem:v43+s14+$0x0], $0xffff  }
0xa1: {  	v51 =	vadd.s32 v13, v26;
	v33 =	vld.idx.msk [tilespmem:v33+s14+$0x0], $0xffff;
	v61 =	vadd.s32 v11, v29;
	v40 =	vor.u32 v8, v40  }
0xa2: {  	v59 =	vadd.s32 v11, v30;
	v24 =	vld.idx.msk [tilespmem:v24+s14+$0x0], $0xffff;
	v42 =	vor.u32 v28, v61;
	[tilespmem:s28+$0xFFFFFFB0] =	vst v53  }
0xa3: {  	v60 =	vadd.s32 v11, v31;
	v62 =	vor.u32 v27, v59;
	[tilespmem:s28+$0x30] =	vst v36;
	v21 =	vld.idx.msk [tilespmem:v21+s14+$0x0], $0xffff  }
0xa4: {  	v41 =	vor.u32 v10, v62;
	v43 =	vadd.s32 v11, v26;
	v63 =	vld.idx.msk [tilespmem:v34+s14+$0x0], $0xffff;
	[tilespmem:s28+$0xFFFFFF30] =	vst v57  }
0xa5: {  	v36 =	vor.u32 v10, v42;
	v19 =	vor.u32 v23, v43;
	v44 =	vld.idx.msk [tilespmem:v39+s14+$0x0], $0xffff;
	[tilespmem:s28+$0xB0] =	vst v49  }
0xa6: {  	[tilespmem:s25+$0xE0] =	vst v37;
	v38 =	vor.u32 v32, v60;
	v19 =	vor.u32 v10, v19;
	v40 =	vld.idx.msk [tilespmem:v40+s14+$0x0], $0xffff  }
0xa7: {  	v52 =	vor.u32 v23, v51;
	[tilespmem:s25+$0xFFFFFFE0] =	vst v33;
	v20 =	vld.idx.msk [tilespmem:v20+s14+$0x0], $0xffff;
	v38 =	vor.u32 v10, v38  }
0xa8: {  	v47 =	vadd.s32 v13, v31;
	v56 =	vadd.s32 v15, v22;
	v17 =	vld.idx.msk [tilespmem:v17+s14+$0x0], $0xffff;
	[tilespmem:s28+$0xFFFFFFC0] =	vst v21  }
0xa9: {  	v50 =	vadd.s32 v13, v29;
	v49 =	vor.u32 v27, v48;
	[tilespmem:s28+$0x40] =	vst v63;
	v34 =	vld.idx.msk [tilespmem:v41+s14+$0x0], $0xffff  }
0xaa: {  	v37 =	vor.u32 v28, v50;
	v33 =	vld.idx.msk [tilespmem:v36+s14+$0x0], $0xffff;
	[tilespmem:s28+$0xFFFFFF40] =	vst v44;
	v36 =	vor.u32 v12, v49  }
0xab: {  	v22 =	vor.u32 v32, v47;
	v53 =	vor.u32 v12, v37;
	v19 =	vld.idx.msk [tilespmem:v19+s14+$0x0], $0xffff;
	[tilespmem:s28+$0xC0] =	vst v40  }
0xac: {  	v22 =	vor.u32 v12, v22;
	[tilespmem:s25+$0xF0] =	vst v20;
	v20 =	vor.u32 v12, v52;
	v46 =	vld.idx.msk [tilespmem:v38+s14+$0x0], $0xffff  }
0xad: {  	[tilespmem:s25+$0xFFFFFF60] =	vst v24;
	v55 =	vadd.s32 v15, v31;
	v45 =	vor.u32 v18, v56;
	v56 =	vadd.s32 v15, v30  }
0xae: {  	v18 =	vor.u32 v14, v45;
	v35 =	vld.idx.msk [tilespmem:v35+s14+$0x0], $0xffff;
	v54 =	vadd.s32 v15, v26;
	[tilespmem:s28+$0xFFFFFFD0] =	vst v34  }
0xaf: {  	v58 =	vadd.s32 v15, v29;
	v26 =	vor.u32 v27, v56;
	[tilespmem:s28+$0x50] =	vst v33;
	v57 =	vld.idx.msk [tilespmem:v36+s14+$0x0], $0xffff  }
0xb0: {  	v60 =	vor.u32 v28, v58;
	v26 =	vor.u32 v14, v26;
	[tilespmem:s28+$0xFFFFFF50] =	vst v19;
	v59 =	vld.idx.msk [tilespmem:v53+s14+$0x0], $0xffff  }
0xb1: {  	v61 =	vor.u32 v14, v60;
	v21 =	vor.u32 v23, v54;
	v20 =	vld.idx.msk [tilespmem:v20+s14+$0x0], $0xffff;
	[tilespmem:s28+$0xD0] =	vst v46  }
0xb2: {  	v25 =	vor.u32 v32, v55;
	[tilespmem:s25+$0xFFFFFFF0] =	vst v17;
	v17 =	vor.u32 v14, v21;
	v22 =	vld.idx.msk [tilespmem:v22+s14+$0x0], $0xffff  }
0xb3: {  	v16 =	vld.idx.msk [tilespmem:v16+s14+$0x0], $0xffff;
	v25 =	vor.u32 v14, v25;
	[tilespmem:s25+$0x60] =	vst v35  }
0xb4: {  	v18 =	vld.idx.msk [tilespmem:v18+s14+$0x0], $0xffff;
	[tilespmem:s28+$0xFFFFFFE0] =	vst v57  }
0xb5: {  	[tilespmem:s28+$0x60] =	vst v59;
	v63 =	vld.idx.msk [tilespmem:v26+s14+$0x0], $0xffff  }
0xb6: {  	v19 =	vld.idx.msk [tilespmem:v61+s14+$0x0], $0xffff;
	[tilespmem:s28+$0xFFFFFF60] =	vst v20  }
0xb7: {  	v17 =	vld.idx.msk [tilespmem:v17+s14+$0x0], $0xffff;
	[tilespmem:s28+$0xE0] =	vst v22  }
0xb8: {  	[tilespmem:s25+$0xFFFFFF70] =	vst v16;
	v62 =	vld.idx.msk [tilespmem:v25+s14+$0x0], $0xffff  }
0xb9: {  	p1 =	sne.s32 s23, $0x3;
	[tilespmem:s25+$0x70] =	vst v18  }
.Ltmp3:
0xba: {  	[tilespmem:s28+$0xFFFFFFF0] =	vst v63;
	(pc) =	sbr.rel @p1 .LBB2_6-.Ltmp3, $4  }
0xbb: {  	[tilespmem:s28+$0x70] =	vst v19  }
0xbc: {  	s31 =	sshll.u32 s23, $0xB;
	[tilespmem:s28+$0xFFFFFF70] =	vst v17  }
0xbd: {  	s25 =	sadd.s32 s31, s9;
	[tilespmem:s28+$0xF0] =	vst v62  }
0xbe: {  	[hbm4b:s25+s5] =	stream.linear.scatter [tilespmem:s17], [sflag:$0x3], $0x2000, $0x38;
	[tilespmem:$0x14080] =	vst v63  }
.Ltmp4:
0xbf: {  	(pc) =	sbr.rel .LBB2_7-.Ltmp4, $4  }
0xc0: {  	_ = 	snop  }
0xc1: {  	_ =	swait.ge [sflag:s18], $0x8000  }
0xc2: {  	[sflag:s18] =	ssyncset.done $0x0  }
0xc3: {  	[sflag:s18] =	ssyncadd.s32 $0xFFFF8000  }
.LBB2_6:
0xc4: {  	s25 =	sadd.s32 s24, s10  }
0xc5: {  	s25 =	sshll.u32 s25, $0x6  }
.Ltmp5:
0xc6: {  	s25 =	sadd.s32 s1, s25;
	(pc) =	sbr.rel @p0 .LBB2_8-.Ltmp5, $4  }
0xc7: {  	[tilespmem:s14], [sflag:$0x1] =	stream.linear.gather [hbm4b:s25+s5], $0x8000, $0x38;
	[tilespmem:$0x14080] =	vst v63  }
0xc8: {  	_ =	swait.ge [sflag:s18], $0x8000  }
0xc9: {  	[sflag:s18] =	ssyncset.done $0x0  }
0xca: {  	[sflag:s18] =	ssyncadd.s32 $0xFFFF8000  }
.LBB2_7:
0xcb: {  	_ =	swait.ge [sflag:s19], $0x2000  }
0xcc: {  	[sflag:s19] =	ssyncset.done $0x0  }
0xcd: {  	[sflag:s19] =	ssyncadd.s32 $0xFFFFE000  }
.LBB2_8:
0xce: {  	s25 =	simm.s32 $0x0;
	s31 =	simm.s32 $0x1  }
0xcf: {  	s26 =	simm.s32 $0x2;
	s30 =	simm.s32 $0x3;
	v16 =	vmov s25;
	v18 =	vmov s31  }
0xd0: {  	v19 =	vmov s26;
	v20 =	vmov s30;
	v17 =	vshll.u32 v16, $0x7  }
0xd1: {  	v16 =	vshll.u32 v16, $0x9;
	v22 =	vshll.u32 v19, $0x7;
	v23 =	vshll.u32 v19, $0x9  }
0xd2: {  	v21 =	vshll.u32 v20, $0x9;
	v25 =	vand.u32 $0x7000, v16;
	v16 =	vand.u32 $0x200, v17  }
0xd3: {  	v17 =	vshll.u32 v18, $0x7;
	v18 =	vshll.u32 v18, $0x9;
	v21 =	vand.u32 $0x7000, v21  }
0xd4: {  	v17 =	vand.u32 $0x280, v17;
	v19 =	vand.u32 $0x7000, v18;
	v18 =	vshll.u32 v20, $0x7  }
0xd5: {  	v26 =	vadd.s32 v1, v21;
	v27 =	vadd.s32 v1, v25;
	v24 =	vadd.s32 v1, v19  }
0xd6: {  	v20 =	vand.u32 $0x380, v18;
	v18 =	vand.u32 $0x300, v22;
	v27 =	vor.u32 v16, v27  }
0xd7: {  	v22 =	vand.u32 $0x7000, v23;
	v23 =	vor.u32 v20, v26;
	v27 =	vor.u32 v0, v27  }
0xd8: {  	v26 =	vadd.s32 v1, v22;
	v24 =	vor.u32 v17, v24;
	v23 =	vor.u32 v0, v23  }
0xd9: {  	v26 =	vor.u32 v18, v26;
	v24 =	vor.u32 v0, v24  }
0xda: {  	v26 =	vor.u32 v0, v26;
	_ =	sdelay $0x1  }
0xdb: {  	v28 =	vadd.s32 v3, v21;
	v27 =	vld.idx.msk [tilespmem:v27+s15+$0x0], $0xffff  }
0xdc: {  	v28 =	vor.u32 v20, v28;
	v23 =	vld.idx.msk [tilespmem:v23+s15+$0x0], $0xffff  }
0xdd: {  	v29 =	vadd.s32 v3, v19;
	v28 =	vor.u32 v2, v28;
	v24 =	vld.idx.msk [tilespmem:v24+s15+$0x0], $0xffff  }
0xde: {  	v31 =	vadd.s32 v3, v25;
	v29 =	vor.u32 v17, v29;
	v30 =	vadd.s32 v3, v22;
	v26 =	vld.idx.msk [tilespmem:v26+s15+$0x0], $0xffff  }
0xdf: {  	s26 =	simm.s32 $0x12270;
	v52 =	vadd.s32 v7, v25;
	v29 =	vor.u32 v2, v29;
	v30 =	vor.u32 v18, v30  }
0xe0: {  	v35 =	vadd.s32 v7, v21;
	v31 =	vor.u32 v16, v31;
	v30 =	vor.u32 v2, v30;
	[tilespmem:s26+$0xFFFFFE10] =	vst v27  }
0xe1: {  	v37 =	vadd.s32 v9, v25;
	v38 =	vadd.s32 v11, v25;
	v31 =	vor.u32 v2, v31;
	[tilespmem:s26+$0xFFFFFF90] =	vst v23  }
0xe2: {  	v40 =	vadd.s32 v9, v21;
	[tilespmem:s26+$0xFFFFFE90] =	vst v24;
	v24 =	vld.idx.msk [tilespmem:v28+s15+$0x0], $0xffff;
	v28 =	vadd.s32 v5, v21  }
0xe3: {  	v32 =	vadd.s32 v5, v19;
	v34 =	vadd.s32 v7, v19;
	[tilespmem:s26+$0xFFFFFF10] =	vst v26;
	v26 =	vor.u32 v20, v28  }
0xe4: {  	v27 =	vor.u32 v17, v32;
	v29 =	vld.idx.msk [tilespmem:v29+s15+$0x0], $0xffff;
	v28 =	vadd.s32 v5, v22;
	v26 =	vor.u32 v4, v26  }
0xe5: {  	v23 =	vadd.s32 v5, v25;
	v27 =	vor.u32 v4, v27;
	v30 =	vld.idx.msk [tilespmem:v30+s15+$0x0], $0xffff;
	v28 =	vor.u32 v18, v28  }
0xe6: {  	v39 =	vadd.s32 v9, v19;
	v31 =	vld.idx.msk [tilespmem:v31+s15+$0x0], $0xffff;
	v23 =	vor.u32 v16, v23;
	v28 =	vor.u32 v4, v28  }
0xe7: {  	v59 =	vor.u32 v16, v37;
	v46 =	vor.u32 v16, v38;
	v23 =	vor.u32 v4, v23  }
0xe8: {  	v61 =	vadd.s32 v11, v19;
	v36 =	vadd.s32 v7, v22;
	v35 =	vor.u32 v20, v35;
	[tilespmem:s26+$0xFFFFFFA0] =	vst v24  }
0xe9: {  	s31 =	simm.s32 $0x4;
	v53 =	vor.u32 v17, v34;
	v40 =	vor.u32 v20, v40;
	[tilespmem:s26+$0xFFFFFEA0] =	vst v29;
	v29 =	vld.idx.msk [tilespmem:v26+s15+$0x0], $0xffff  }
0xea: {  	v33 =	vmov s31;
	v54 =	vor.u32 v6, v35;
	v55 =	vor.u32 v18, v36;
	v27 =	vld.idx.msk [tilespmem:v27+s15+$0x0], $0xffff;
	[tilespmem:s26+$0xFFFFFF20] =	vst v30  }
0xeb: {  	[tilespmem:s26+$0xFFFFFE20] =	vst v31;
	v24 =	vshll.u32 v33, $0x7;
	v26 =	vshll.u32 v33, $0x9;
	v33 =	vor.u32 v6, v53;
	v28 =	vld.idx.msk [tilespmem:v28+s15+$0x0], $0xffff  }
0xec: {  	s31 =	simm.s32 $0x6;
	v45 =	vor.u32 v8, v59;
	v35 =	vor.u32 v6, v55;
	v32 =	vor.u32 v16, v52;
	v56 =	vld.idx.msk [tilespmem:v23+s15+$0x0], $0xffff  }
0xed: {  	s30 =	simm.s32 $0x5;
	v47 =	vadd.s32 v11, v22;
	v32 =	vor.u32 v6, v32;
	v31 =	vmov s31  }
0xee: {  	v57 =	vor.u32 v8, v40;
	v41 =	vshll.u32 v31, $0x7;
	v30 =	vmov s30;
	[tilespmem:s26+$0xFFFFFFB0] =	vst v29  }
0xef: {  	v23 =	vand.u32 $0x200, v24;
	v24 =	vadd.s32 v15, v25;
	[tilespmem:s26+$0xFFFFFEB0] =	vst v27;
	v27 =	vadd.s32 v9, v22;
	v34 =	vld.idx.msk [tilespmem:v54+s15+$0x0], $0xffff  }
0xf0: {  	v29 =	vshll.u32 v30, $0x7;
	v42 =	vld.idx.msk [tilespmem:v33+s15+$0x0], $0xffff;
	[tilespmem:s26+$0xFFFFFF30] =	vst v28;
	v28 =	vshll.u32 v30, $0x9;
	v30 =	vor.u32 v17, v39  }
0xf1: {  	v31 =	vshll.u32 v31, $0x9;
	[tilespmem:s26+$0xFFFFFE30] =	vst v56;
	v27 =	vor.u32 v18, v27;
	v58 =	vld.idx.msk [tilespmem:v35+s15+$0x0], $0xffff;
	v43 =	vor.u32 v8, v30  }
0xf2: {  	v26 =	vand.u32 $0x7000, v26;
	v32 =	vld.idx.msk [tilespmem:v32+s15+$0x0], $0xffff;
	v33 =	vadd.s32 v13, v19;
	v60 =	vor.u32 v8, v27  }
0xf3: {  	v27 =	vand.u32 $0x280, v29;
	v29 =	vadd.s32 v11, v21;
	v39 =	vor.u32 v10, v46  }
0xf4: {  	v30 =	vadd.s32 v1, v26;
	v63 =	vor.u32 v20, v29;
	v29 =	vand.u32 $0x7000, v31;
	[tilespmem:s26+$0xFFFFFFC0] =	vst v34  }
0xf5: {  	v31 =	vor.u32 v17, v61;
	v62 =	vor.u32 v23, v30;
	v30 =	vand.u32 $0x7000, v28;
	[tilespmem:s26+$0xFFFFFEC0] =	vst v42;
	v35 =	vld.idx.msk [tilespmem:v57+s15+$0x0], $0xffff  }
0xf6: {  	v28 =	vand.u32 $0x300, v41;
	v41 =	vor.u32 v10, v63;
	v44 =	vadd.s32 v1, v29;
	[tilespmem:s26+$0xFFFFFF40] =	vst v58;
	v36 =	vld.idx.msk [tilespmem:v43+s15+$0x0], $0xffff  }
0xf7: {  	[tilespmem:s26+$0xFFFFFE40] =	vst v32;
	v42 =	vor.u32 v10, v31;
	v31 =	vor.u32 v18, v47;
	v37 =	vld.idx.msk [tilespmem:v60+s15+$0x0], $0xffff  }
0xf8: {  	s29 =	simm.s32 $0x7;
	s28 =	simm.s32 $0x8;
	s25 =	simm.s32 $0x12270;
	v40 =	vadd.s32 v1, v30;
	v38 =	vld.idx.msk [tilespmem:v45+s15+$0x0], $0xffff;
	v34 =	vor.u32 v0, v62;
	v43 =	vor.u32 v10, v31  }
.LBB2_9:
0xf9: {  	p0 =	slt.u32 s28, $0x3C;
	v31 =	vor.u32 v27, v40;
	v32 =	vor.u32 v28, v44;
	v40 =	vmov s29  }
0xfa: {  	v31 =	vor.u32 v0, v31;
	v32 =	vor.u32 v0, v32;
	v44 =	vshll.u32 v40, $0x9;
	[tilespmem:s26+$0xFFFFFFD0] =	vst v35  }
0xfb: {  	v40 =	vshll.u32 v40, $0x7;
	v35 =	vand.u32 $0x7000, v44;
	[tilespmem:s26+$0xFFFFFED0] =	vst v36;
	v36 =	vld.idx.msk [tilespmem:v41+s15+$0x0], $0xffff;
	v41 =	vadd.s32 v13, v21  }
0xfc: {  	v40 =	vand.u32 $0x380, v40;
	v44 =	vadd.s32 v1, v35;
	v42 =	vld.idx.msk [tilespmem:v42+s15+$0x0], $0xffff;
	[tilespmem:s26+$0xFFFFFF50] =	vst v37;
	v37 =	vor.u32 v20, v41  }
0xfd: {  	v41 =	vor.u32 v40, v44;
	[tilespmem:s26+$0xFFFFFE50] =	vst v38;
	v38 =	vld.idx.msk [tilespmem:v43+s15+$0x0], $0xffff;
	v37 =	vor.u32 v12, v37  }
0xfe: {  	v33 =	vor.u32 v17, v33;
	v43 =	vadd.s32 v13, v22;
	v41 =	vor.u32 v0, v41;
	v39 =	vld.idx.msk [tilespmem:v39+s15+$0x0], $0xffff  }
0xff: {  	v48 =	vadd.s32 v13, v25;
	v33 =	vor.u32 v12, v33;
	v43 =	vor.u32 v18, v43;
	v34 =	vld.idx.msk [tilespmem:v34+s15+$0x0], $0xffff  }
0x100: {  	v47 =	vor.u32 v16, v48;
	v44 =	vadd.s32 v5, v26;
	v43 =	vor.u32 v12, v43;
	v31 =	vld.idx.msk [tilespmem:v31+s15+$0x0], $0xffff  }
0x101: {  	v45 =	vadd.s32 v3, v26;
	v25 =	vmov v26;
	v46 =	vor.u32 v12, v47;
	v32 =	vld.idx.msk [tilespmem:v32+s15+$0x0], $0xffff;
	[tilespmem:s26+$0xFFFFFFE0] =	vst v36  }
0x102: {  	v26 =	vadd.s32 v3, v30;
	[tilespmem:s26+$0xFFFFFEE0] =	vst v42;
	v36 =	vld.idx.msk [tilespmem:v37+s15+$0x0], $0xffff;
	v37 =	vadd.s32 v15, v21;
	v21 =	vmov v35  }
0x103: {  	v35 =	vld.idx.msk [tilespmem:v41+s15+$0x0], $0xffff;
	v41 =	vadd.s32 v3, v21;
	[tilespmem:s26+$0xFFFFFF60] =	vst v38;
	v37 =	vor.u32 v20, v37;
	v20 =	vmov v40  }
0x104: {  	v38 =	vor.u32 v20, v41;
	[tilespmem:s26+$0xFFFFFE60] =	vst v39;
	v33 =	vld.idx.msk [tilespmem:v33+s15+$0x0], $0xffff;
	v37 =	vor.u32 v14, v37  }
0x105: {  	v26 =	vor.u32 v27, v26;
	v39 =	vadd.s32 v3, v29;
	v38 =	vor.u32 v2, v38;
	v40 =	vld.idx.msk [tilespmem:v43+s15+$0x0], $0xffff  }
0x106: {  	v26 =	vor.u32 v2, v26;
	v42 =	vadd.s32 v15, v19;
	v39 =	vor.u32 v28, v39;
	v41 =	vld.idx.msk [tilespmem:v46+s15+$0x0], $0xffff  }
0x107: {  	v22 =	vadd.s32 v15, v22;
	v19 =	vmovc v30;
	v43 =	vor.u32 v23, v45;
	v39 =	vor.u32 v2, v39  }
0x108: {  	v42 =	vor.u32 v17, v42;
	s26 =	sadd.s32 $0x200, s26;
	v30 =	vor.u32 v2, v43;
	v43 =	vadd.s32 v5, v19;
	[tilespmem:s25+$0xFFFFFFF0] =	vst v36  }
0x109: {  	v17 =	vmov v27;
	[tilespmem:s26+$0xFFFFFF90] =	vst v35;
	v35 =	vor.u32 v14, v42;
	v42 =	vor.u32 v18, v22;
	v36 =	vld.idx.msk [tilespmem:v37+s15+$0x0], $0xffff  }
0x10a: {  	v37 =	vadd.s32 v5, v21;
	v18 =	vmov v28;
	[tilespmem:s26+$0xFFFFFE90] =	vst v31;
	v27 =	vld.idx.msk [tilespmem:v38+s15+$0x0], $0xffff;
	v31 =	vor.u32 v14, v42  }
0x10b: {  	v28 =	vadd.s32 v5, v29;
	v22 =	vmov v29;
	v26 =	vld.idx.msk [tilespmem:v26+s15+$0x0], $0xffff;
	[tilespmem:s26+$0xFFFFFF10] =	vst v32;
	v32 =	vor.u32 v20, v37  }
0x10c: {  	v29 =	vor.u32 v17, v43;
	[tilespmem:s26+$0xFFFFFE10] =	vst v34;
	v34 =	vld.idx.msk [tilespmem:v39+s15+$0x0], $0xffff;
	v32 =	vor.u32 v4, v32  }
0x10d: {  	v29 =	vor.u32 v4, v29;
	v28 =	vor.u32 v18, v28;
	v30 =	vld.idx.msk [tilespmem:v30+s15+$0x0], $0xffff;
	[tilespmem:s25+$0xFFFFFEF0] =	vst v33  }
0x10e: {  	v28 =	vor.u32 v4, v28;
	v33 =	vor.u32 v23, v44;
	v35 =	vld.idx.msk [tilespmem:v35+s15+$0x0], $0xffff;
	[tilespmem:s25+$0xFFFFFF70] =	vst v40  }
0x10f: {  	v24 =	vor.u32 v16, v24;
	v16 =	vmov v23;
	v33 =	vor.u32 v4, v33;
	v31 =	vld.idx.msk [tilespmem:v31+s15+$0x0], $0xffff;
	[tilespmem:s25+$0x0] =	vst v36  }
0x110: {  	v24 =	vor.u32 v14, v24;
	v23 =	vadd.s32 v7, v25;
	[tilespmem:s26+$0xFFFFFFA0] =	vst v27  }
0x111: {  	v36 =	vadd.s32 v7, v21;
	v27 =	vmov s28;
	[tilespmem:s26+$0xFFFFFEA0] =	vst v26;
	v26 =	vadd.s32 v7, v19;
	v32 =	vld.idx.msk [tilespmem:v32+s15+$0x0], $0xffff  }
0x112: {  	v36 =	vor.u32 v20, v36;
	v37 =	vshll.u32 v27, $0x7;
	v29 =	vld.idx.msk [tilespmem:v29+s15+$0x0], $0xffff;
	[tilespmem:s26+$0xFFFFFF20] =	vst v34;
	v34 =	vadd.s32 v7, v22  }
0x113: {  	s29 =	sadd.s32 $0x1, s28;
	v27 =	vshll.u32 v27, $0x9;
	v26 =	vor.u32 v17, v26;
	[tilespmem:s26+$0xFFFFFE20] =	vst v30;
	v28 =	vld.idx.msk [tilespmem:v28+s15+$0x0], $0xffff;
	v30 =	vor.u32 v6, v36  }
0x114: {  	v36 =	vmov s29;
	s29 =	sadd.s32 $0x2, s28;
	v38 =	vor.u32 v6, v26;
	v26 =	vor.u32 v18, v34;
	v33 =	vld.idx.msk [tilespmem:v33+s15+$0x0], $0xffff;
	[tilespmem:s25+$0xFFFFFE70] =	vst v41  }
0x115: {  	v39 =	vor.u32 v16, v23;
	v34 =	vmov s29;
	v40 =	vor.u32 v6, v26;
	v41 =	vld.idx.msk [tilespmem:v24+s15+$0x0], $0xffff;
	[tilespmem:s25+$0xFFFFFF00] =	vst v35  }
0x116: {  	v23 =	vand.u32 $0x200, v37;
	v26 =	vand.u32 $0x7000, v27;
	v27 =	vor.u32 v6, v39;
	[tilespmem:s25+$0xFFFFFF80] =	vst v31  }
0x117: {  	v35 =	vadd.s32 v11, v25;
	v24 =	vadd.s32 v15, v25;
	v31 =	vadd.s32 v9, v25;
	[tilespmem:s26+$0xFFFFFFB0] =	vst v32  }
0x118: {  	v37 =	vadd.s32 v9, v21;
	v32 =	vshll.u32 v36, $0x7;
	[tilespmem:s26+$0xFFFFFEB0] =	vst v29;
	v29 =	vadd.s32 v9, v19;
	v30 =	vld.idx.msk [tilespmem:v30+s15+$0x0], $0xffff  }
0x119: {  	v37 =	vor.u32 v20, v37;
	v39 =	vshll.u32 v34, $0x7;
	v38 =	vld.idx.msk [tilespmem:v38+s15+$0x0], $0xffff;
	[tilespmem:s26+$0xFFFFFF30] =	vst v28;
	v28 =	vadd.s32 v9, v22  }
0x11a: {  	v37 =	vor.u32 v8, v37;
	v36 =	vshll.u32 v36, $0x9;
	v29 =	vor.u32 v17, v29;
	[tilespmem:s26+$0xFFFFFE30] =	vst v33;
	v42 =	vld.idx.msk [tilespmem:v40+s15+$0x0], $0xffff  }
0x11b: {  	v34 =	vshll.u32 v34, $0x9;
	v29 =	vor.u32 v8, v29;
	v43 =	vld.idx.msk [tilespmem:v27+s15+$0x0], $0xffff;
	v27 =	vor.u32 v18, v28;
	[tilespmem:s25+$0xFFFFFE80] =	vst v41;
	s25 =	smov.u32 s26  }
0x11c: {  	v31 =	vor.u32 v16, v31;
	v28 =	vadd.s32 v1, v26;
	v41 =	vor.u32 v8, v27  }
0x11d: {  	v31 =	vor.u32 v8, v31;
	v33 =	vadd.s32 v13, v19;
	v27 =	vand.u32 $0x280, v32  }
0x11e: {  	v45 =	vadd.s32 v11, v22;
	v44 =	vadd.s32 v11, v19;
	v32 =	vor.u32 v16, v35;
	[tilespmem:s26+$0xFFFFFFC0] =	vst v30  }
.Ltmp6:
0x11f: {  	v46 =	vor.u32 v23, v28;
	v30 =	vand.u32 $0x7000, v36;
	[tilespmem:s26+$0xFFFFFEC0] =	vst v38;
	v35 =	vld.idx.msk [tilespmem:v37+s15+$0x0], $0xffff;
	v37 =	vadd.s32 v11, v21;
	(pc) =	sbr.rel @p0 .LBB2_9-.Ltmp6, $4  }
0x120: {  	v28 =	vand.u32 $0x300, v39;
	v40 =	vadd.s32 v1, v30;
	v36 =	vld.idx.msk [tilespmem:v29+s15+$0x0], $0xffff;
	[tilespmem:s26+$0xFFFFFF40] =	vst v42;
	v38 =	vor.u32 v20, v37  }
0x121: {  	v29 =	vand.u32 $0x7000, v34;
	v34 =	vor.u32 v17, v44;
	[tilespmem:s26+$0xFFFFFE40] =	vst v43;
	v37 =	vld.idx.msk [tilespmem:v41+s15+$0x0], $0xffff;
	v41 =	vor.u32 v10, v38  }
0x122: {  	v44 =	vadd.s32 v1, v29;
	v42 =	vor.u32 v10, v34;
	v38 =	vld.idx.msk [tilespmem:v31+s15+$0x0], $0xffff;
	v31 =	vor.u32 v18, v45  }
0x123: {  	s29 =	sadd.s32 $0x3, s28;
	s28 =	sadd.s32 $0x4, s28;
	v39 =	vor.u32 v10, v32;
	v34 =	vor.u32 v0, v46;
	v43 =	vor.u32 v10, v31  }
0x124: {  	v32 =	vmov s29  }
0x125: {  	v40 =	vor.u32 v27, v40;
	v44 =	vor.u32 v28, v44;
	v48 =	vadd.s32 v13, v21  }
0x126: {  	v33 =	vor.u32 v17, v33;
	v51 =	vadd.s32 v3, v30;
	v52 =	vadd.s32 v13, v22  }
0x127: {  	v53 =	vadd.s32 v3, v29;
	v25 =	vadd.s32 v13, v25;
	v54 =	vadd.s32 v3, v26  }
0x128: {  	v57 =	vadd.s32 v5, v30;
	v58 =	vadd.s32 v5, v26;
	v31 =	vshll.u32 v32, $0x9  }
0x129: {  	[tilespmem:s26+$0xFFFFFFD0] =	vst v35;
	v32 =	vshll.u32 v32, $0x7;
	v40 =	vor.u32 v0, v40;
	v31 =	vand.u32 $0x7000, v31  }
0x12a: {  	[tilespmem:s26+$0xFFFFFED0] =	vst v36;
	v63 =	vor.u32 v0, v44;
	v32 =	vand.u32 $0x380, v32;
	v45 =	vadd.s32 v1, v31  }
0x12b: {  	v59 =	vadd.s32 v5, v29;
	v47 =	vadd.s32 v7, v26;
	v42 =	vld.idx.msk [tilespmem:v42+s15+$0x0], $0xffff;
	v45 =	vor.u32 v32, v45  }
0x12c: {  	v34 =	vld.idx.msk [tilespmem:v34+s15+$0x0], $0xffff;
	v19 =	vadd.s32 v15, v19;
	v44 =	vor.u32 v27, v51;
	v61 =	vor.u32 v0, v45  }
0x12d: {  	v62 =	vld.idx.msk [tilespmem:v41+s15+$0x0], $0xffff;
	v36 =	vor.u32 v28, v53;
	v33 =	vor.u32 v12, v33;
	v55 =	vor.u32 v18, v52  }
0x12e: {  	v25 =	vor.u32 v16, v25;
	v52 =	vadd.s32 v9, v30;
	v17 =	vor.u32 v17, v19;
	v40 =	vld.idx.msk [tilespmem:v40+s15+$0x0], $0xffff  }
0x12f: {  	[tilespmem:s26+$0xFFFFFF50] =	vst v37;
	v44 =	vor.u32 v2, v44;
	v36 =	vor.u32 v2, v36;
	v41 =	vld.idx.msk [tilespmem:v63+s15+$0x0], $0xffff  }
0x130: {  	v49 =	vld.idx.msk [tilespmem:v43+s15+$0x0], $0xffff;
	v50 =	vadd.s32 v3, v31;
	[tilespmem:s26+$0xFFFFFEE0] =	vst v42;
	v42 =	vor.u32 v23, v54  }
0x131: {  	v16 =	vor.u32 v16, v24;
	v43 =	vor.u32 v32, v50;
	v42 =	vor.u32 v2, v42;
	v35 =	vld.idx.msk [tilespmem:v61+s15+$0x0], $0xffff  }
0x132: {  	s28 =	sadd.s32 $0x200, s26;
	v37 =	vor.u32 v20, v48;
	v25 =	vor.u32 v12, v25;
	[tilespmem:s26+$0xFFFFFE50] =	vst v38;
	v43 =	vor.u32 v2, v43  }
0x133: {  	v48 =	vadd.s32 v15, v21;
	v21 =	vor.u32 v27, v52;
	v39 =	vld.idx.msk [tilespmem:v39+s15+$0x0], $0xffff;
	[tilespmem:s28+$0xFFFFFE90] =	vst v40  }
0x134: {  	v56 =	vadd.s32 v5, v31;
	v45 =	vor.u32 v27, v57;
	[tilespmem:s28+$0xFFFFFF10] =	vst v41;
	v44 =	vld.idx.msk [tilespmem:v44+s15+$0x0], $0xffff  }
0x135: {  	[tilespmem:s28+$0xFFFFFE10] =	vst v34;
	v34 =	vor.u32 v28, v59;
	v45 =	vor.u32 v4, v45;
	v36 =	vld.idx.msk [tilespmem:v36+s15+$0x0], $0xffff  }
0x136: {  	v34 =	vor.u32 v4, v34;
	v41 =	vor.u32 v23, v58;
	v42 =	vld.idx.msk [tilespmem:v42+s15+$0x0], $0xffff;
	[tilespmem:s28+$0xFFFFFF90] =	vst v35  }
0x137: {  	[tilespmem:s26+$0xFFFFFFE0] =	vst v62;
	v40 =	vor.u32 v32, v56;
	v41 =	vor.u32 v4, v41;
	v43 =	vld.idx.msk [tilespmem:v43+s15+$0x0], $0xffff  }
0x138: {  	v17 =	vor.u32 v14, v17;
	v16 =	vor.u32 v14, v16;
	[tilespmem:s26+$0xFFFFFE60] =	vst v39;
	v40 =	vor.u32 v4, v40  }
0x139: {  	v37 =	vor.u32 v12, v37;
	v60 =	vadd.s32 v7, v31;
	v61 =	vadd.s32 v7, v30;
	[tilespmem:s28+$0xFFFFFEA0] =	vst v44  }
0x13a: {  	v63 =	vadd.s32 v7, v29;
	v44 =	vor.u32 v27, v61;
	[tilespmem:s28+$0xFFFFFF20] =	vst v36;
	v62 =	vld.idx.msk [tilespmem:v45+s15+$0x0], $0xffff  }
0x13b: {  	v36 =	vor.u32 v28, v63;
	v44 =	vor.u32 v6, v44;
	v34 =	vld.idx.msk [tilespmem:v34+s15+$0x0], $0xffff;
	[tilespmem:s28+$0xFFFFFE20] =	vst v42  }
0x13c: {  	v39 =	vor.u32 v23, v47;
	v36 =	vor.u32 v6, v36;
	v41 =	vld.idx.msk [tilespmem:v41+s15+$0x0], $0xffff;
	[tilespmem:s28+$0xFFFFFFA0] =	vst v43  }
0x13d: {  	v51 =	vor.u32 v20, v48;
	v39 =	vor.u32 v6, v39;
	v43 =	vor.u32 v32, v60;
	v40 =	vld.idx.msk [tilespmem:v40+s15+$0x0], $0xffff  }
0x13e: {  	v21 =	vor.u32 v8, v21;
	v48 =	vadd.s32 v13, v30;
	v43 =	vor.u32 v6, v43  }
0x13f: {  	v50 =	vadd.s32 v9, v31;
	v20 =	vor.u32 v14, v51;
	v37 =	vld.idx.msk [tilespmem:v37+s15+$0x0], $0xffff;
	[tilespmem:s28+$0xFFFFFEB0] =	vst v62  }
0x140: {  	v54 =	vadd.s32 v9, v29;
	v35 =	vor.u32 v12, v55;
	[tilespmem:s28+$0xFFFFFF30] =	vst v34;
	v53 =	vld.idx.msk [tilespmem:v44+s15+$0x0], $0xffff  }
0x141: {  	v55 =	vadd.s32 v9, v26;
	v34 =	vor.u32 v28, v54;
	v36 =	vld.idx.msk [tilespmem:v36+s15+$0x0], $0xffff;
	[tilespmem:s28+$0xFFFFFE30] =	vst v41  }
0x142: {  	v58 =	vor.u32 v23, v55;
	v34 =	vor.u32 v8, v34;
	v57 =	vld.idx.msk [tilespmem:v39+s15+$0x0], $0xffff;
	[tilespmem:s28+$0xFFFFFFB0] =	vst v40  }
0x143: {  	[tilespmem:s26+$0xFFFFFF60] =	vst v49;
	v39 =	vor.u32 v8, v58;
	v40 =	vor.u32 v32, v50;
	v49 =	vld.idx.msk [tilespmem:v43+s15+$0x0], $0xffff  }
0x144: {  	v51 =	vadd.s32 v13, v26;
	v33 =	vld.idx.msk [tilespmem:v33+s15+$0x0], $0xffff;
	v61 =	vadd.s32 v11, v29;
	v40 =	vor.u32 v8, v40  }
0x145: {  	v59 =	vadd.s32 v11, v30;
	v25 =	vld.idx.msk [tilespmem:v25+s15+$0x0], $0xffff;
	v42 =	vor.u32 v28, v61;
	[tilespmem:s28+$0xFFFFFEC0] =	vst v53  }
0x146: {  	v60 =	vadd.s32 v11, v31;
	v62 =	vor.u32 v27, v59;
	[tilespmem:s28+$0xFFFFFF40] =	vst v36;
	v21 =	vld.idx.msk [tilespmem:v21+s15+$0x0], $0xffff  }
0x147: {  	v41 =	vor.u32 v10, v62;
	v43 =	vadd.s32 v11, v26;
	v63 =	vld.idx.msk [tilespmem:v34+s15+$0x0], $0xffff;
	[tilespmem:s28+$0xFFFFFE40] =	vst v57  }
0x148: {  	v36 =	vor.u32 v10, v42;
	v19 =	vor.u32 v23, v43;
	v44 =	vld.idx.msk [tilespmem:v39+s15+$0x0], $0xffff;
	[tilespmem:s28+$0xFFFFFFC0] =	vst v49  }
0x149: {  	[tilespmem:s25+$0xFFFFFFF0] =	vst v37;
	v38 =	vor.u32 v32, v60;
	v19 =	vor.u32 v10, v19;
	v40 =	vld.idx.msk [tilespmem:v40+s15+$0x0], $0xffff  }
0x14a: {  	v52 =	vor.u32 v23, v51;
	[tilespmem:s25+$0xFFFFFEF0] =	vst v33;
	v20 =	vld.idx.msk [tilespmem:v20+s15+$0x0], $0xffff;
	v38 =	vor.u32 v10, v38  }
0x14b: {  	v47 =	vadd.s32 v13, v31;
	v56 =	vadd.s32 v15, v22;
	v17 =	vld.idx.msk [tilespmem:v17+s15+$0x0], $0xffff;
	[tilespmem:s28+$0xFFFFFED0] =	vst v21  }
0x14c: {  	v50 =	vadd.s32 v13, v29;
	v49 =	vor.u32 v27, v48;
	[tilespmem:s28+$0xFFFFFF50] =	vst v63;
	v34 =	vld.idx.msk [tilespmem:v41+s15+$0x0], $0xffff  }
0x14d: {  	v37 =	vor.u32 v28, v50;
	v33 =	vld.idx.msk [tilespmem:v36+s15+$0x0], $0xffff;
	[tilespmem:s28+$0xFFFFFE50] =	vst v44;
	v36 =	vor.u32 v12, v49  }
0x14e: {  	v22 =	vor.u32 v32, v47;
	v53 =	vor.u32 v12, v37;
	v19 =	vld.idx.msk [tilespmem:v19+s15+$0x0], $0xffff;
	[tilespmem:s28+$0xFFFFFFD0] =	vst v40  }
0x14f: {  	v22 =	vor.u32 v12, v22;
	[tilespmem:s25+$0x0] =	vst v20;
	v20 =	vor.u32 v12, v52;
	v46 =	vld.idx.msk [tilespmem:v38+s15+$0x0], $0xffff  }
0x150: {  	[tilespmem:s25+$0xFFFFFE70] =	vst v25;
	v55 =	vadd.s32 v15, v31;
	v45 =	vor.u32 v18, v56;
	v56 =	vadd.s32 v15, v30  }
0x151: {  	v18 =	vor.u32 v14, v45;
	v35 =	vld.idx.msk [tilespmem:v35+s15+$0x0], $0xffff;
	v54 =	vadd.s32 v15, v26;
	[tilespmem:s28+$0xFFFFFEE0] =	vst v34  }
0x152: {  	v58 =	vadd.s32 v15, v29;
	v26 =	vor.u32 v27, v56;
	[tilespmem:s28+$0xFFFFFF60] =	vst v33;
	v57 =	vld.idx.msk [tilespmem:v36+s15+$0x0], $0xffff  }
0x153: {  	v60 =	vor.u32 v28, v58;
	v26 =	vor.u32 v14, v26;
	[tilespmem:s28+$0xFFFFFE60] =	vst v19;
	v59 =	vld.idx.msk [tilespmem:v53+s15+$0x0], $0xffff  }
0x154: {  	v61 =	vor.u32 v14, v60;
	v21 =	vor.u32 v23, v54;
	v20 =	vld.idx.msk [tilespmem:v20+s15+$0x0], $0xffff;
	[tilespmem:s28+$0xFFFFFFE0] =	vst v46  }
0x155: {  	v24 =	vor.u32 v32, v55;
	[tilespmem:s25+$0xFFFFFF00] =	vst v17;
	v17 =	vor.u32 v14, v21;
	v22 =	vld.idx.msk [tilespmem:v22+s15+$0x0], $0xffff  }
0x156: {  	v16 =	vld.idx.msk [tilespmem:v16+s15+$0x0], $0xffff;
	v24 =	vor.u32 v14, v24;
	[tilespmem:s25+$0xFFFFFF70] =	vst v35  }
0x157: {  	v18 =	vld.idx.msk [tilespmem:v18+s15+$0x0], $0xffff;
	[tilespmem:s28+$0xFFFFFEF0] =	vst v57  }
0x158: {  	[tilespmem:s28+$0xFFFFFF70] =	vst v59;
	v63 =	vld.idx.msk [tilespmem:v26+s15+$0x0], $0xffff  }
0x159: {  	v19 =	vld.idx.msk [tilespmem:v61+s15+$0x0], $0xffff;
	[tilespmem:s28+$0xFFFFFE70] =	vst v20  }
0x15a: {  	v17 =	vld.idx.msk [tilespmem:v17+s15+$0x0], $0xffff;
	[tilespmem:s28+$0xFFFFFFF0] =	vst v22  }
0x15b: {  	[tilespmem:s25+$0xFFFFFE80] =	vst v16;
	v62 =	vld.idx.msk [tilespmem:v24+s15+$0x0], $0xffff  }
0x15c: {  	p0 =	seq.s32 s23, $0x3;
	[tilespmem:s25+$0xFFFFFF80] =	vst v18  }
.Ltmp7:
0x15d: {  	s31 =	sadd.s32 s24, s6;
	[tilespmem:s28+$0xFFFFFF00] =	vst v63;
	(pc) =	sbr.rel @p0 .LBB2_12-.Ltmp7, $4  }
0x15e: {  	s25 =	sshll.u32 s31, $0x4;
	[tilespmem:s28+$0xFFFFFF80] =	vst v19  }
0x15f: {  	s25 =	sadd.s32 s4, s25;
	[tilespmem:s28+$0xFFFFFE80] =	vst v17  }
0x160: {  	s25 =	sadd.s32 $0x400, s25;
	[tilespmem:s28+$0x0] =	vst v62  }
0x161: {  	[hbm4b:s25+s5] =	stream.linear.scatter [tilespmem:s20], [sflag:$0x4], $0x2000, $0x38;
	[tilespmem:$0x14080] =	vst v63  }
.Ltmp8:
0x162: {  	(pc) =	sbr.rel .LBB2_2-.Ltmp8, $4  }
0x163: {  	s24 =	sadd.s32 s24, s11  }
0x164: {  	s24 =	sshll.u32 s24, $0x6  }
0x165: {  	s23 =	sadd.s32 $0x1, s23;
	s24 =	sadd.s32 s1, s24  }
0x166: {  	[tilespmem:s15], [sflag:$0x2] =	stream.linear.gather [hbm4b:s24+s5], $0x8000, $0x38;
	[tilespmem:$0x14080] =	vst v63  }
.LBB2_13:
0x167: {  	_ =	sfence.sel $0x180000  }
0x168: {  	[bflag:$0x0] =	sbarrier.arrive $0xFFFF  }
0x169: {  	p0 =	sne.s32 s2, $0x0;
	_ =	strace $0x90000047  }
0x16a: {  	s0 =	sadd.s32 @!p0 $0x100000, s0;
	[bflag:$0x2] =	sbarrier.arrive $0xFFFF  }
0x16b: {  	[sflag:s0] =	ssyncadd.tile.s32 @!p0 $0x1;
	_ =	shalt  }
.Lfunc_end2:
_tile_overlayer_lowered:
.L_overlay_start_2:
0x16c: {  	(tag) =	ssettag $0x2  }
0x16d: {  	s0 =	rddreg [dreg:$0x0];
	s2 =	stileid.u32  }
0x16e: {  	s1 =	rddreg [dreg:$0x1];
	p0 =	sne.s32 s2, $0x0  }
0x16f: {  	s3 =	rddreg [dreg:$0x2];
	[bflag:$0x3] =	sbarrier.arrive $0xFFFF;
	s2 =	simm.s32 @!p0 $0x1C05  }
0x170: {  	[timem:s3], [sflag:s2] =	dma.local @!p0 [hbm:s0], s1  }
0x171: {  	s0 =	simm.s32 @!p0 $0x5  }
0x172: {  	_ =	swait.ge @!p0 [sflag:s0], s1  }
0x173: {  	s1 =	ssub.s32 @!p0 $0x0, s1;
	[sflag:s0] =	ssyncset.done @!p0 $0x0  }
0x174: {  	[sflag:s0] =	ssyncadd.s32 @!p0 s1  }
0x175: {  	[bflag:$0x3] =	sbarrier.arrive $0xFFFF  }
0x176: {  	_ =	shalt  }

</sc_bundles>
